<compile_context>
chip_gen: v7x
topology: tpu7x:2x2x1
jax: 0.10.2.dev20260603
libtpu: 0.0.44.dev20260713+nightly
codegen_flags: <defaults>
</compile_context>

<pallas_src>
import functools
import math

import jax
import jax.numpy as jnp
from jax import lax
from jax.experimental import pallas as pl
from jax.experimental.pallas import tpu as pltpu
from jax.experimental.pallas import tpu_sc as plsc

SEQ = 2048
HIDDEN = 1024
NUM_HEADS = 16
HEAD_DIM = 64
NUM_EXPERTS = 8
TOP_K = 2
FFN = 4096
CAP_FACTOR = 1.25
CAPACITY = int(math.ceil(SEQ * TOP_K / NUM_EXPERTS * CAP_FACTOR))
SPAD = NUM_EXPERTS * CAPACITY

SB = 256
RB = 512
FB = 1024
DB = 512
CB = 512

_BF = jnp.bfloat16
_F32 = jnp.float32


def _dot(a, b):
    return jax.lax.dot_general(a, b, (((a.ndim - 1,), (0,)), ((), ())),
                               preferred_element_type=_F32)


def _k1_body(x_ref, w_ref, b_ref, wt_ref, o_ref):
    x = x_ref[...]
    mu = jnp.mean(x, axis=1, keepdims=True)
    var = jnp.mean((x - mu) ** 2, axis=1, keepdims=True)
    ln = (x - mu) * jax.lax.rsqrt(var + 1e-5) * w_ref[...][None, :] + b_ref[...][None, :]
    o_ref[...] = _dot(ln.astype(_BF), wt_ref[...]).astype(_BF)


def _ln_qkv(x, w, b, wt_bf):
    return pl.pallas_call(
        _k1_body,
        grid=(SEQ // SB,),
        in_specs=[
            pl.BlockSpec((SB, HIDDEN), lambda i: (i, 0)),
            pl.BlockSpec((HIDDEN,), lambda i: (0,)),
            pl.BlockSpec((HIDDEN,), lambda i: (0,)),
            pl.BlockSpec((HIDDEN, 3 * HIDDEN), lambda i: (0, 0)),
        ],
        out_specs=pl.BlockSpec((SB, 3 * HIDDEN), lambda i: (i, 0)),
        out_shape=jax.ShapeDtypeStruct((SEQ, 3 * HIDDEN), jnp.bfloat16),
    )(x, w, b, wt_bf)


def _k2_body(q_ref, k_ref, v_ref, o_ref):
    qb = pl.program_id(1)
    q = q_ref[0]
    k = k_ref[0]
    v = v_ref[0]
    s = jax.lax.dot_general(q, k, (((1,), (1,)), ((), ())),
                            preferred_element_type=jnp.float32)
    s = s * (1.0 / math.sqrt(HEAD_DIM))
    row = jax.lax.broadcasted_iota(jnp.int32, (SB, SEQ), 0) + qb * SB
    col = jax.lax.broadcasted_iota(jnp.int32, (SB, SEQ), 1)
    s = jnp.where(col <= row, s, jnp.float32(-1e9))
    KT = SEQ // 2
    s0 = s[:, :KT]
    s1 = s[:, KT:]
    m0 = jnp.max(s0, axis=1, keepdims=True)
    m = jnp.maximum(m0, jnp.max(s1, axis=1, keepdims=True))
    scale0 = jnp.exp(m0 - m)
    e0 = jnp.exp(s0 - m0)
    e1 = jnp.exp(s1 - m)
    acc = _dot(e0.astype(_BF), v[:KT]) * scale0 + _dot(e1.astype(_BF), v[KT:])
    den = jnp.sum(e0, axis=1, keepdims=True) * scale0 + jnp.sum(e1, axis=1, keepdims=True)
    o_ref[0] = (acc / den).astype(_BF)


def _attention(q, k, v):
    return pl.pallas_call(
        _k2_body,
        grid=(NUM_HEADS, SEQ // SB),
        in_specs=[
            pl.BlockSpec((1, SB, HEAD_DIM), lambda h, i: (h, i, 0)),
            pl.BlockSpec((1, SEQ, HEAD_DIM), lambda h, i: (h, 0, 0)),
            pl.BlockSpec((1, SEQ, HEAD_DIM), lambda h, i: (h, 0, 0)),
        ],
        out_specs=pl.BlockSpec((1, SB, HEAD_DIM), lambda h, i: (h, i, 0)),
        out_shape=jax.ShapeDtypeStruct((NUM_HEADS, SEQ, HEAD_DIM), jnp.bfloat16),
    )(q, k, v)


def _k3_body(a_ref, hid_ref, pw_ref, w_ref, b_ref, rw_ref,
             h_ref, x2_ref, idx_ref, prb_ref):
    po = _dot(a_ref[...].astype(_BF), pw_ref[...])
    h = hid_ref[...] + po
    h_ref[...] = h
    mu = jnp.mean(h, axis=1, keepdims=True)
    var = jnp.mean((h - mu) ** 2, axis=1, keepdims=True)
    x2 = (h - mu) * jax.lax.rsqrt(var + 1e-5) * w_ref[...][None, :] + b_ref[...][None, :]
    x2_ref[...] = x2
    logits = _dot(x2.astype(_BF), rw_ref[...])
    col = jax.lax.broadcasted_iota(jnp.int32, (SB, 128), 1)
    valid = col < NUM_EXPERTS
    logits = jnp.where(valid, logits, jnp.float32(-1e30))
    m = jnp.max(logits, axis=1, keepdims=True)
    e = jnp.exp(logits - m)
    e = jnp.where(valid, e, 0.0)
    probs = e / jnp.sum(e, axis=1, keepdims=True)
    m1 = jnp.max(probs, axis=1, keepdims=True)
    i1 = jnp.min(jnp.where(probs == m1, col, 1 << 20), axis=1, keepdims=True)
    probs2 = jnp.where(col == i1, jnp.float32(-1.0), probs)
    m2 = jnp.max(probs2, axis=1, keepdims=True)
    i2 = jnp.min(jnp.where(probs2 == m2, col, 1 << 20), axis=1, keepdims=True)
    denom = m1 + m2
    p1 = m1 / denom
    p2 = m2 / denom
    idx_ref[...] = jnp.where(col == 0, i1, jnp.where(col == 1, i2, 0)).astype(jnp.int32)
    prb_ref[...] = jnp.where(col == 0, p1, jnp.where(col == 1, p2, 0.0))


def _proj_ln2_router(attn_sp, hidden, pwt_bf, w2, b2, rw_pad_bf):
    return pl.pallas_call(
        _k3_body,
        grid=(SEQ // SB,),
        in_specs=[
            pl.BlockSpec((SB, HIDDEN), lambda i: (i, 0)),
            pl.BlockSpec((SB, HIDDEN), lambda i: (i, 0)),
            pl.BlockSpec((HIDDEN, HIDDEN), lambda i: (0, 0)),
            pl.BlockSpec((HIDDEN,), lambda i: (0,)),
            pl.BlockSpec((HIDDEN,), lambda i: (0,)),
            pl.BlockSpec((HIDDEN, 128), lambda i: (0, 0)),
        ],
        out_specs=[
            pl.BlockSpec((SB, HIDDEN), lambda i: (i, 0)),
            pl.BlockSpec((SB, HIDDEN), lambda i: (i, 0)),
            pl.BlockSpec((SB, 128), lambda i: (i, 0)),
            pl.BlockSpec((SB, 128), lambda i: (i, 0)),
        ],
        out_shape=[
            jax.ShapeDtypeStruct((SEQ, HIDDEN), jnp.float32),
            jax.ShapeDtypeStruct((SEQ, HIDDEN), jnp.float32),
            jax.ShapeDtypeStruct((SEQ, 128), jnp.int32),
            jax.ShapeDtypeStruct((SEQ, 128), jnp.float32),
        ],
    )(attn_sp, hidden, pwt_bf, w2, b2, rw_pad_bf)


def _k4_body(e_ref, p_ref, slot_ref, cslot_ref, peb0_ref, peb1_ref, cnt_ref, carry):
    b = pl.program_id(0)

    @pl.when(b == 0)
    def _():
        carry[...] = jnp.zeros_like(carry)

    e = e_ref[0, 0, :]
    p = p_ref[0, 0, :]
    col = jax.lax.broadcasted_iota(jnp.int32, (RB, 128), 1)
    oh = (e[:, None] == col).astype(_BF)
    rowi = jax.lax.broadcasted_iota(jnp.int32, (RB, RB), 0)
    coli = jax.lax.broadcasted_iota(jnp.int32, (RB, RB), 1)
    tri = (rowi > coli).astype(_BF)
    cnt = _dot(tri, oh)
    rank = jnp.sum(oh.astype(_F32) * (cnt + carry[...]), axis=1)
    keep = rank < CAPACITY
    slot = e * CAPACITY + rank.astype(jnp.int32)
    slot_ref[0, 0, :] = jnp.where(keep, slot, SPAD)
    cslot_ref[0, 0, :] = jnp.where(keep, slot, 0)
    peff = jnp.where(keep, p, 0.0)
    pe2 = peff.reshape(RB // TOP_K, TOP_K)
    peb0_ref[...] = jnp.broadcast_to(pe2[:, 0:1], (RB // TOP_K, 16))
    peb1_ref[...] = jnp.broadcast_to(pe2[:, 1:2], (RB // TOP_K, 16))
    carry[...] += jnp.sum(oh.astype(_F32), axis=0, keepdims=True)

    @pl.when(b == pl.num_programs(0) - 1)
    def _():
        cnt_ref[...] = jnp.minimum(carry[...], float(CAPACITY)).astype(jnp.int32)


def _routing(eids3, probs3):
    nblk = SEQ * TOP_K // RB
    return pl.pallas_call(
        _k4_body,
        grid=(nblk,),
        in_specs=[
            pl.BlockSpec((1, 1, RB), lambda i: (i, 0, 0)),
            pl.BlockSpec((1, 1, RB), lambda i: (i, 0, 0)),
        ],
        out_specs=[
            pl.BlockSpec((1, 1, RB), lambda i: (i, 0, 0)),
            pl.BlockSpec((1, 1, RB), lambda i: (i, 0, 0)),
            pl.BlockSpec((RB // TOP_K, 16), lambda i: (i, 0)),
            pl.BlockSpec((RB // TOP_K, 16), lambda i: (i, 0)),
            pl.BlockSpec((1, 128), lambda i: (0, 0)),
        ],
        out_shape=[
            jax.ShapeDtypeStruct((nblk, 1, RB), jnp.int32),
            jax.ShapeDtypeStruct((nblk, 1, RB), jnp.int32),
            jax.ShapeDtypeStruct((SEQ, 16), jnp.float32),
            jax.ShapeDtypeStruct((SEQ, 16), jnp.float32),
            jax.ShapeDtypeStruct((1, 128), jnp.int32),
        ],
        scratch_shapes=[pltpu.VMEM((1, 128), jnp.float32)],
    )(eids3, probs3)


def _k6_body(s0_ref, s1_ref, x_ref, o_ref):
    r = pl.program_id(0)
    rows = jax.lax.broadcasted_iota(jnp.int32, (DB, SEQ), 0) + r * DB
    d = jnp.logical_or(rows == s0_ref[...], rows == s1_ref[...]).astype(_BF)
    o_ref[...] = _dot(d, x_ref[...].astype(_BF))


def _dispatch(slots0, slots1, x2):
    return pl.pallas_call(
        _k6_body,
        grid=(SPAD // DB,),
        in_specs=[
            pl.BlockSpec((1, SEQ), lambda i: (0, 0)),
            pl.BlockSpec((1, SEQ), lambda i: (0, 0)),
            pl.BlockSpec((SEQ, HIDDEN), lambda i: (0, 0)),
        ],
        out_specs=pl.BlockSpec((DB, HIDDEN), lambda i: (i, 0)),
        out_shape=jax.ShapeDtypeStruct((SPAD, HIDDEN), jnp.float32),
    )(slots0, slots1, x2)


def _k5_body(cnt_ref, x_ref, w1_ref, w2_ref, o_ref):
    e = pl.program_id(0)
    f = pl.program_id(1)
    rows = jax.lax.broadcasted_iota(jnp.int32, (CAPACITY, HIDDEN), 0)
    x = jnp.where(rows < cnt_ref[e], x_ref[...], 0.0)
    fc1 = _dot(x.astype(_BF), w1_ref[0])
    act = jax.nn.gelu(fc1)
    contrib = _dot(act.astype(_BF), w2_ref[0])

    @pl.when(f == 0)
    def _():
        o_ref[...] = contrib

    @pl.when(f != 0)
    def _():
        o_ref[...] += contrib


def _expert_ffn(counts, padded_x, w1_bf, w2_bf):
    grid_spec = pltpu.PrefetchScalarGridSpec(
        num_scalar_prefetch=1,
        grid=(NUM_EXPERTS, FFN // FB),
        in_specs=[
            pl.BlockSpec((CAPACITY, HIDDEN), lambda e, f, c: (e, 0)),
            pl.BlockSpec((1, HIDDEN, FB), lambda e, f, c: (e, 0, f)),
            pl.BlockSpec((1, FB, HIDDEN), lambda e, f, c: (e, f, 0)),
        ],
        out_specs=pl.BlockSpec((CAPACITY, HIDDEN), lambda e, f, c: (e, 0)),
    )
    return pl.pallas_call(
        _k5_body,
        grid_spec=grid_spec,
        out_shape=jax.ShapeDtypeStruct((SPAD, HIDDEN), jnp.float32),
    )(counts, padded_x, w1_bf, w2_bf)


def _k7_body(s0_ref, s1_ref, p0_ref, p1_ref, h_ref, eo_ref, o_ref):
    sb = pl.program_id(1)
    cols = jax.lax.broadcasted_iota(jnp.int32, (SB, CB), 1) + sb * CB
    s0 = s0_ref[0, 0, :][:, None]
    s1 = s1_ref[0, 0, :][:, None]
    p0 = p0_ref[0, 0, :][:, None]
    p1 = p1_ref[0, 0, :][:, None]
    g = (cols == s0).astype(jnp.float32) * p0 + (cols == s1).astype(jnp.float32) * p1
    contrib = _dot(g.astype(_BF), eo_ref[...].astype(_BF))

    @pl.when(sb == 0)
    def _():
        o_ref[...] = h_ref[...] + contrib

    @pl.when(sb != 0)
    def _():
        o_ref[...] += contrib


def _combine(slots0_3, slots1_3, p0_3, p1_3, h_attn, expert_out):
    return pl.pallas_call(
        _k7_body,
        grid=(SEQ // SB, SPAD // CB),
        in_specs=[
            pl.BlockSpec((1, 1, SB), lambda t, s: (t, 0, 0)),
            pl.BlockSpec((1, 1, SB), lambda t, s: (t, 0, 0)),
            pl.BlockSpec((1, 1, SB), lambda t, s: (t, 0, 0)),
            pl.BlockSpec((1, 1, SB), lambda t, s: (t, 0, 0)),
            pl.BlockSpec((SB, HIDDEN), lambda t, s: (t, 0)),
            pl.BlockSpec((CB, HIDDEN), lambda t, s: (s, 0)),
        ],
        out_specs=pl.BlockSpec((SB, HIDDEN), lambda t, s: (t, 0)),
        out_shape=jax.ShapeDtypeStruct((SEQ, HIDDEN), jnp.float32),
    )(slots0_3, slots1_3, p0_3, p1_3, h_attn, expert_out)


_SC_MESH = plsc.VectorSubcoreMesh(core_axis_name="c", subcore_axis_name="s")
_NW = 32
_TPW = SEQ // _NW
_L = 16


def _wid():
    return lax.axis_index("s") * 2 + lax.axis_index("c")


def _sc_dispatch(x2, ds0, ds1):

    @functools.partial(
        pl.kernel, mesh=_SC_MESH,
        out_type=jax.ShapeDtypeStruct((SPAD + 8, HIDDEN), jnp.float32),
        scratch_types=[pltpu.VMEM((_L, HIDDEN), jnp.float32),
                       pltpu.VMEM((_L,), jnp.int32),
                       pltpu.VMEM((_L,), jnp.int32),
                       pltpu.SemaphoreType.DMA])
    def k(x_hbm, ds0_hbm, ds1_hbm, out_hbm, xv, i0v, i1v, sem):
        base = _wid() * _TPW

        def body(c, _):
            off = base + c * _L
            pltpu.sync_copy(x_hbm.at[pl.ds(off, _L)], xv)
            pltpu.sync_copy(ds0_hbm.at[pl.ds(off, _L)], i0v)
            pltpu.sync_copy(ds1_hbm.at[pl.ds(off, _L)], i1v)
            pltpu.async_copy(xv, out_hbm.at[i0v], sem).wait()
            pltpu.async_copy(xv, out_hbm.at[i1v], sem).wait()
            return 0

        lax.fori_loop(0, _TPW // _L, body, 0)

    return k(x2, ds0, ds1)


def _sc_combine(h_attn, expert_out, cs0, cs1, peb0, peb1):

    @functools.partial(
        pl.kernel, mesh=_SC_MESH,
        out_type=jax.ShapeDtypeStruct((SEQ, HIDDEN), jnp.float32),
        scratch_types=[pltpu.VMEM((_L, HIDDEN), jnp.float32),
                       pltpu.VMEM((_L, HIDDEN), jnp.float32),
                       pltpu.VMEM((_L, HIDDEN), jnp.float32),
                       pltpu.VMEM((_L, HIDDEN), jnp.float32),
                       pltpu.VMEM((_L,), jnp.int32),
                       pltpu.VMEM((_L,), jnp.int32),
                       pltpu.VMEM((_L, _L), jnp.float32),
                       pltpu.VMEM((_L, _L), jnp.float32),
                       pltpu.SemaphoreType.DMA])
    def k(h_hbm, eo_hbm, cs0_hbm, cs1_hbm, pb0_hbm, pb1_hbm, out_hbm,
          g0, g1, hb, ob, i0v, i1v, q0v, q1v, sem):
        base = _wid() * _TPW

        def chunk(c, _):
            off = base + c * _L
            pltpu.sync_copy(cs0_hbm.at[pl.ds(off, _L)], i0v)
            pltpu.sync_copy(cs1_hbm.at[pl.ds(off, _L)], i1v)
            pltpu.sync_copy(pb0_hbm.at[pl.ds(off, _L)], q0v)
            pltpu.sync_copy(pb1_hbm.at[pl.ds(off, _L)], q1v)
            pltpu.sync_copy(h_hbm.at[pl.ds(off, _L)], hb)
            pltpu.async_copy(eo_hbm.at[i0v], g0, sem).wait()
            pltpu.async_copy(eo_hbm.at[i1v], g1, sem).wait()

            def cols(cc, _):
                csl = pl.ds(cc * _L, _L)
                for j in range(_L):
                    ob[j, csl] = (hb[j, csl] + q0v[j] * g0[j, csl]
                                  + q1v[j] * g1[j, csl])
                return 0

            lax.fori_loop(0, HIDDEN // _L, cols, 0)
            pltpu.sync_copy(ob, out_hbm.at[pl.ds(off, _L)])
            return 0

        lax.fori_loop(0, _TPW // _L, chunk, 0)

    return k(h_attn, expert_out, cs0, cs1, peb0, peb1)


def kernel(hidden_states, ln1_weight, ln1_bias, ln2_weight, ln2_bias,
           qkv_weight, proj_weight, router_weight, moe_w1, moe_w2):
    S, B, H = hidden_states.shape
    x0 = hidden_states.reshape(S, H)

    qkv = _ln_qkv(x0, ln1_weight, ln1_bias, qkv_weight.T.astype(_BF))
    qkv_h = qkv.reshape(S, NUM_HEADS, 3 * HEAD_DIM)
    q = jnp.transpose(qkv_h[:, :, :HEAD_DIM], (1, 0, 2)).astype(_BF)
    k = jnp.transpose(qkv_h[:, :, HEAD_DIM:2 * HEAD_DIM], (1, 0, 2)).astype(_BF)
    v = jnp.transpose(qkv_h[:, :, 2 * HEAD_DIM:], (1, 0, 2)).astype(_BF)
    attn = _attention(q, k, v)
    attn_sp = jnp.transpose(attn, (1, 0, 2)).reshape(S, H)

    rw_pad = jnp.zeros((H, 128), _BF).at[:, :NUM_EXPERTS].set(
        router_weight.astype(_BF))
    h_attn, x2, idx_out, prb_out = _proj_ln2_router(
        attn_sp, x0, proj_weight.T.astype(_BF), ln2_weight, ln2_bias, rw_pad)

    total = S * TOP_K
    eids = jnp.stack([idx_out[:, 0], idx_out[:, 1]], axis=1).reshape(total)
    eprb = jnp.stack([prb_out[:, 0], prb_out[:, 1]], axis=1).reshape(total)
    nblk = total // RB
    dslot3, cslot3, peb0, peb1, counts = _routing(eids.reshape(nblk, 1, RB),
                                                  eprb.reshape(nblk, 1, RB))
    dslots = dslot3.reshape(S, TOP_K)
    cslots = cslot3.reshape(S, TOP_K)

    padded_x = _sc_dispatch(x2, dslots[:, 0], dslots[:, 1])
    expert_out = _expert_ffn(counts[0, :NUM_EXPERTS], padded_x,
                             moe_w1.astype(_BF), moe_w2.astype(_BF))
    out = _sc_combine(h_attn, expert_out, cslots[:, 0], cslots[:, 1],
                      peb0, peb1)
    return out.reshape(S, B, H)

# --- scband reference (transcript-rebuilt; emitter-appended) ---
"""Pipeline reference for scband-deep-speed-block-baseline-layer-15530601742502 (READ-ONLY COPY).

The authoritative reference and input builder live on the scoring server;
editing this copy changes nothing except your own understanding.
"""

import math
import jax, jax.numpy as jnp
import numpy as np

SEQ = 2048
BATCH = 1
HIDDEN = 1024
NUM_HEADS = 16
NUM_KV_HEADS = 16
NUM_EXPERTS = 8
TOP_K = 2
FFN = 4096
CAP_FACTOR = 1.25


def setup_inputs(seed: int = 0) -> dict:
    key = jax.random.key(seed)
    ks = jax.random.split(key, 8)
    H = HIDDEN
    return {
        "hidden_states": jax.random.normal(ks[0], (SEQ, BATCH, H), dtype=jnp.float32),
        "ln1_weight": jnp.ones((H,), dtype=jnp.float32),
        "ln1_bias": jnp.zeros((H,), dtype=jnp.float32),
        "ln2_weight": jnp.ones((H,), dtype=jnp.float32),
        "ln2_bias": jnp.zeros((H,), dtype=jnp.float32),
        "qkv_weight": jax.random.normal(ks[1], (3 * H, H), dtype=jnp.float32) * (1.0 / math.sqrt(H)),
        "proj_weight": jax.random.normal(ks[2], (H, H), dtype=jnp.float32) * (1.0 / math.sqrt(H)),
        "router_weight": jax.random.normal(ks[3], (H, NUM_EXPERTS), dtype=jnp.float32) * 0.02,
        "moe_w1": jax.random.normal(ks[4], (NUM_EXPERTS, H, FFN), dtype=jnp.float32) * (1.0 / math.sqrt(H)),
        "moe_w2": jax.random.normal(ks[5], (NUM_EXPERTS, FFN, H), dtype=jnp.float32) * (1.0 / math.sqrt(FFN)),
    }


def _layer_norm(x, w, b, eps=1e-5):
    mu = jnp.mean(x, axis=-1, keepdims=True)
    var = jnp.mean((x - mu) ** 2, axis=-1, keepdims=True)
    return (x - mu) * jax.lax.rsqrt(var + eps) * w + b


def reference(hidden_states, ln1_weight, ln1_bias, ln2_weight, ln2_bias, qkv_weight, proj_weight, router_weight, moe_w1, moe_w2):
    S, B, H = hidden_states.shape
    head_dim = H // NUM_HEADS
    q_per_kv = NUM_HEADS // NUM_KV_HEADS
    # --- attention branch (single-rank Ulysses == plain causal MHA) ---
    ln1 = _layer_norm(hidden_states, ln1_weight, ln1_bias)
    qkv = ln1 @ qkv_weight.T
    group = (q_per_kv + 2) * head_dim
    qkv = qkv.reshape(S, B, NUM_KV_HEADS, group)
    q_dim = q_per_kv * head_dim
    q = qkv[..., :q_dim].reshape(S, B, NUM_HEADS, head_dim)
    k = qkv[..., q_dim:q_dim + head_dim]
    v = qkv[..., q_dim + head_dim:]
    qb = jnp.transpose(q, (1, 2, 0, 3))  # [B, nh, S, hd]
    kb = jnp.transpose(k, (1, 2, 0, 3))  # [B, kvh, S, hd]
    vb = jnp.transpose(v, (1, 2, 0, 3))
    if q_per_kv > 1:
        kb = jnp.repeat(kb, q_per_kv, axis=1)
        vb = jnp.repeat(vb, q_per_kv, axis=1)
    scores = jnp.einsum('bhqd,bhkd->bhqk', qb, kb) / math.sqrt(head_dim)
    causal = jnp.tril(jnp.ones((S, S), dtype=bool))
    scores = jnp.where(causal[None, None, :, :], scores, jnp.float32(-1e9))
    attn_probs = jax.nn.softmax(scores, axis=-1)
    attn = jnp.einsum('bhqk,bhkd->bhqd', attn_probs, vb)
    attn_sp = jnp.transpose(attn, (2, 0, 1, 3)).reshape(S, B, H)
    proj_out = attn_sp @ proj_weight.T
    hidden_after_attn = hidden_states + proj_out
    # --- MoE branch with padded capacity dispatch (ep_size == 1) ---
    ln2 = _layer_norm(hidden_after_attn, ln2_weight, ln2_bias)
    x = ln2.reshape(-1, H)
    N = x.shape[0]
    router_logits = x @ router_weight
    router_probs = jax.nn.softmax(router_logits, axis=-1)
    top_probs, top_idx = jax.lax.top_k(router_probs, TOP_K)
    top_probs = top_probs / jnp.sum(top_probs, axis=-1, keepdims=True)
    expanded_tokens = jnp.repeat(x, TOP_K, axis=0)
    expanded_probs = top_probs.reshape(-1)
    expanded_expert = top_idx.reshape(-1)
    total = N * TOP_K
    sorted_idx = jnp.argsort(expanded_expert, stable=True)
    sorted_expert = expanded_expert[sorted_idx]
    tokens_per_expert = jnp.bincount(sorted_expert, length=NUM_EXPERTS)
    capacity = int(math.ceil(N * TOP_K / NUM_EXPERTS * CAP_FACTOR))
    offsets = jnp.concatenate([jnp.zeros((1,), dtype=tokens_per_expert.dtype), jnp.cumsum(tokens_per_expert)])
    within = jnp.arange(total) - offsets[sorted_expert]
    keep = within < capacity
    Spad = NUM_EXPERTS * capacity
    pos = jnp.where(keep, sorted_expert * capacity + within, Spad)  # dump row for dropped tokens
    tok = expanded_tokens[sorted_idx]
    prob = expanded_probs[sorted_idx]
    tid = sorted_idx // TOP_K
    padded_tokens = jnp.zeros((Spad + 1, H), dtype=x.dtype).at[pos].set(tok)[:Spad]
    padded_probs = jnp.zeros((Spad + 1,), dtype=x.dtype).at[pos].set(prob)[:Spad]
    padded_tid = jnp.zeros((Spad + 1,), dtype=jnp.int32).at[pos].set(tid.astype(jnp.int32))[:Spad]
    # expert FFN over uniformly-padded buckets
    te = padded_tokens.reshape(NUM_EXPERTS, capacity, H)
    fc1 = jnp.einsum('ech,ehf->ecf', te, moe_w1)
    act = jax.nn.gelu(fc1)
    expert_out = jnp.einsum('ecf,efh->ech', act, moe_w2).reshape(Spad, H)
    weighted = expert_out * padded_probs[:, None]
    moe_out = jnp.zeros((N, H), dtype=x.dtype).at[padded_tid].add(weighted)
    moe_out = moe_out.reshape(S, B, H)
    return hidden_after_attn + moe_out

if __name__ == "__main__":
    import jax
    _d = setup_inputs()
    print(jax.jit(kernel)(*tuple(_d.values())))

</pallas_src>

<mosaic_0001>
#map = affine_map<(d0, d1) -> (0, 0)>
#map1 = affine_map<(d0, d1) -> (0)>
module attributes {stable_mosaic.version = 14 : i64} {
  func.func @k(%arg0: i32, %arg1: i32, %arg2: memref<2048x1024xf32, #tpu.memory_space<hbm>>, %arg3: memref<5120x1024xf32, #tpu.memory_space<hbm>>, %arg4: memref<2048xi32, #tpu.memory_space<hbm>>, %arg5: memref<2048xi32, #tpu.memory_space<hbm>>, %arg6: memref<2048x16xf32, #tpu.memory_space<hbm>>, %arg7: memref<2048x16xf32, #tpu.memory_space<hbm>>, %arg8: memref<2048x1024xf32, #tpu.memory_space<hbm>>, %arg9: memref<16x1024xf32, #tpu.memory_space<vmem>>, %arg10: memref<16x1024xf32, #tpu.memory_space<vmem>>, %arg11: memref<16x1024xf32, #tpu.memory_space<vmem>>, %arg12: memref<16x1024xf32, #tpu.memory_space<vmem>>, %arg13: memref<16xi32, #tpu.memory_space<vmem>>, %arg14: memref<16xi32, #tpu.memory_space<vmem>>, %arg15: memref<16x16xf32, #tpu.memory_space<vmem>>, %arg16: memref<16x16xf32, #tpu.memory_space<vmem>>, %arg17: memref<!tpu.dma_semaphore, #tpu.memory_space<semaphore_mem>>) attributes {dimension_semantics = [#tpu.dimension_semantics<core_parallel>, #tpu.dimension_semantics<subcore_parallel>], iteration_bounds = array<i64: 2, 16>, scalar_prefetch = 0 : i64, scratch_operands = 9 : i64, tpu.core_type = #tpu.core_type<sc_vector_subcore>, window_params = [{transform_indices = #map}, {transform_indices = #map}, {transform_indices = #map1}, {transform_indices = #map1}, {transform_indices = #map}, {transform_indices = #map}, {transform_indices = #map}]} {
    %mul3A = arith.constant 2 : i32
    %mul3A_0 = arith.muli %arg1, %mul3A : i32
    %add3A = arith.addi %mul3A_0, %arg0 : i32
    %mul3A_1 = arith.constant 64 : i32
    %mul3A_2 = arith.muli %add3A, %mul3A_1 : i32
    %scan3A = arith.constant 0 : i32
    %scan3A_3 = arith.constant 0 : i32
    %scan3A_4 = arith.constant 4 : i32
    %scan3A_5 = arith.addi %scan3A_3, %scan3A_4 : i32
    %scan3A_6 = arith.constant 1 : i32
    %scan3A_7 = scf.for %scan3A_9 = %scan3A_3 to %scan3A_5 step %scan3A_6 iter_args(%scan3A_10 = %scan3A) -> (i32)  : i32 {
      %mul3A_11 = arith.constant 16 : i32
      %mul3A_12 = arith.muli %scan3A_9, %mul3A_11 : i32
      %add3A_13 = arith.addi %mul3A_2, %mul3A_12 : i32
      "tpu.region"() ({
        %run_scoped3A = tpu.sem_alloc : memref<!tpu.dma_semaphore, #tpu.memory_space<semaphore_mem>>
        %dma_start3A_32 = tpu.memref_slice %arg4[%add3A_13] : memref<2048xi32, #tpu.memory_space<hbm>> -> memref<16xi32, #tpu.memory_space<hbm>>
        %dma_start3A_33 = tpu.memref_slice %arg4[%add3A_13] : memref<2048xi32, #tpu.memory_space<hbm>> -> memref<16xi32, #tpu.memory_space<hbm>>
        tpu.enqueue_dma source(%dma_start3A_33 : memref<16xi32, #tpu.memory_space<hbm>>) target(%arg13 : memref<16xi32, #tpu.memory_space<vmem>>) target_semaphore(%run_scoped3A : memref<!tpu.dma_semaphore, #tpu.memory_space<semaphore_mem>>)
        %dma_wait3A_34 = tpu.memref_slice %arg4[%add3A_13] : memref<2048xi32, #tpu.memory_space<hbm>> -> memref<16xi32, #tpu.memory_space<hbm>>
        %dma_wait3A_35 = tpu.memref_slice %arg4[%add3A_13] : memref<2048xi32, #tpu.memory_space<hbm>> -> memref<16xi32, #tpu.memory_space<hbm>>
        tpu.wait_dma2 semaphore(%run_scoped3A : memref<!tpu.dma_semaphore, #tpu.memory_space<semaphore_mem>>) src(%dma_wait3A_35 : memref<16xi32, #tpu.memory_space<hbm>>) dst(%arg13 : memref<16xi32, #tpu.memory_space<vmem>>)
        tpu.yield
      }) : () -> ()
      "tpu.region"() ({
        %run_scoped3A = tpu.sem_alloc : memref<!tpu.dma_semaphore, #tpu.memory_space<semaphore_mem>>
        %dma_start3A_32 = tpu.memref_slice %arg5[%add3A_13] : memref<2048xi32, #tpu.memory_space<hbm>> -> memref<16xi32, #tpu.memory_space<hbm>>
        %dma_start3A_33 = tpu.memref_slice %arg5[%add3A_13] : memref<2048xi32, #tpu.memory_space<hbm>> -> memref<16xi32, #tpu.memory_space<hbm>>
        tpu.enqueue_dma source(%dma_start3A_33 : memref<16xi32, #tpu.memory_space<hbm>>) target(%arg14 : memref<16xi32, #tpu.memory_space<vmem>>) target_semaphore(%run_scoped3A : memref<!tpu.dma_semaphore, #tpu.memory_space<semaphore_mem>>)
        %dma_wait3A_34 = tpu.memref_slice %arg5[%add3A_13] : memref<2048xi32, #tpu.memory_space<hbm>> -> memref<16xi32, #tpu.memory_space<hbm>>
        %dma_wait3A_35 = tpu.memref_slice %arg5[%add3A_13] : memref<2048xi32, #tpu.memory_space<hbm>> -> memref<16xi32, #tpu.memory_space<hbm>>
        tpu.wait_dma2 semaphore(%run_scoped3A : memref<!tpu.dma_semaphore, #tpu.memory_space<semaphore_mem>>) src(%dma_wait3A_35 : memref<16xi32, #tpu.memory_space<hbm>>) dst(%arg14 : memref<16xi32, #tpu.memory_space<vmem>>)
        tpu.yield
      }) : () -> ()
      "tpu.region"() ({
        %run_scoped3A = tpu.sem_alloc : memref<!tpu.dma_semaphore, #tpu.memory_space<semaphore_mem>>
        %dma_start3A_32 = arith.constant 0 : i32
        %dma_start3A_33 = tpu.memref_slice %arg6[%add3A_13, %dma_start3A_32] : memref<2048x16xf32, #tpu.memory_space<hbm>> -> memref<16x16xf32, #tpu.memory_space<hbm>>
        %dma_start3A_34 = arith.constant 0 : i32
        %dma_start3A_35 = tpu.memref_slice %arg6[%add3A_13, %dma_start3A_34] : memref<2048x16xf32, #tpu.memory_space<hbm>> -> memref<16x16xf32, #tpu.memory_space<hbm>>
        tpu.enqueue_dma source(%dma_start3A_35 : memref<16x16xf32, #tpu.memory_space<hbm>>) target(%arg15 : memref<16x16xf32, #tpu.memory_space<vmem>>) target_semaphore(%run_scoped3A : memref<!tpu.dma_semaphore, #tpu.memory_space<semaphore_mem>>)
        %dma_wait3A_36 = arith.constant 0 : i32
        %dma_wait3A_37 = tpu.memref_slice %arg6[%add3A_13, %dma_wait3A_36] : memref<2048x16xf32, #tpu.memory_space<hbm>> -> memref<16x16xf32, #tpu.memory_space<hbm>>
        %dma_wait3A_38 = arith.constant 0 : i32
        %dma_wait3A_39 = tpu.memref_slice %arg6[%add3A_13, %dma_wait3A_38] : memref<2048x16xf32, #tpu.memory_space<hbm>> -> memref<16x16xf32, #tpu.memory_space<hbm>>
        tpu.wait_dma2 semaphore(%run_scoped3A : memref<!tpu.dma_semaphore, #tpu.memory_space<semaphore_mem>>) src(%dma_wait3A_39 : memref<16x16xf32, #tpu.memory_space<hbm>>) dst(%arg15 : memref<16x16xf32, #tpu.memory_space<vmem>>)
        tpu.yield
      }) : () -> ()
      "tpu.region"() ({
        %run_scoped3A = tpu.sem_alloc : memref<!tpu.dma_semaphore, #tpu.memory_space<semaphore_mem>>
        %dma_start3A_32 = arith.constant 0 : i32
        %dma_start3A_33 = tpu.memref_slice %arg7[%add3A_13, %dma_start3A_32] : memref<2048x16xf32, #tpu.memory_space<hbm>> -> memref<16x16xf32, #tpu.memory_space<hbm>>
        %dma_start3A_34 = arith.constant 0 : i32
        %dma_start3A_35 = tpu.memref_slice %arg7[%add3A_13, %dma_start3A_34] : memref<2048x16xf32, #tpu.memory_space<hbm>> -> memref<16x16xf32, #tpu.memory_space<hbm>>
        tpu.enqueue_dma source(%dma_start3A_35 : memref<16x16xf32, #tpu.memory_space<hbm>>) target(%arg16 : memref<16x16xf32, #tpu.memory_space<vmem>>) target_semaphore(%run_scoped3A : memref<!tpu.dma_semaphore, #tpu.memory_space<semaphore_mem>>)
        %dma_wait3A_36 = arith.constant 0 : i32
        %dma_wait3A_37 = tpu.memref_slice %arg7[%add3A_13, %dma_wait3A_36] : memref<2048x16xf32, #tpu.memory_space<hbm>> -> memref<16x16xf32, #tpu.memory_space<hbm>>
        %dma_wait3A_38 = arith.constant 0 : i32
        %dma_wait3A_39 = tpu.memref_slice %arg7[%add3A_13, %dma_wait3A_38] : memref<2048x16xf32, #tpu.memory_space<hbm>> -> memref<16x16xf32, #tpu.memory_space<hbm>>
        tpu.wait_dma2 semaphore(%run_scoped3A : memref<!tpu.dma_semaphore, #tpu.memory_space<semaphore_mem>>) src(%dma_wait3A_39 : memref<16x16xf32, #tpu.memory_space<hbm>>) dst(%arg16 : memref<16x16xf32, #tpu.memory_space<vmem>>)
        tpu.yield
      }) : () -> ()
      "tpu.region"() ({
        %run_scoped3A = tpu.sem_alloc : memref<!tpu.dma_semaphore, #tpu.memory_space<semaphore_mem>>
        %dma_start3A_32 = arith.constant 0 : i32
        %dma_start3A_33 = tpu.memref_slice %arg2[%add3A_13, %dma_start3A_32] : memref<2048x1024xf32, #tpu.memory_space<hbm>> -> memref<16x1024xf32, #tpu.memory_space<hbm>>
        %dma_start3A_34 = arith.constant 0 : i32
        %dma_start3A_35 = tpu.memref_slice %arg2[%add3A_13, %dma_start3A_34] : memref<2048x1024xf32, #tpu.memory_space<hbm>> -> memref<16x1024xf32, #tpu.memory_space<hbm>>
        tpu.enqueue_dma source(%dma_start3A_35 : memref<16x1024xf32, #tpu.memory_space<hbm>>) target(%arg11 : memref<16x1024xf32, #tpu.memory_space<vmem>>) target_semaphore(%run_scoped3A : memref<!tpu.dma_semaphore, #tpu.memory_space<semaphore_mem>>)
        %dma_wait3A_36 = arith.constant 0 : i32
        %dma_wait3A_37 = tpu.memref_slice %arg2[%add3A_13, %dma_wait3A_36] : memref<2048x1024xf32, #tpu.memory_space<hbm>> -> memref<16x1024xf32, #tpu.memory_space<hbm>>
        %dma_wait3A_38 = arith.constant 0 : i32
        %dma_wait3A_39 = tpu.memref_slice %arg2[%add3A_13, %dma_wait3A_38] : memref<2048x1024xf32, #tpu.memory_space<hbm>> -> memref<16x1024xf32, #tpu.memory_space<hbm>>
        tpu.wait_dma2 semaphore(%run_scoped3A : memref<!tpu.dma_semaphore, #tpu.memory_space<semaphore_mem>>) src(%dma_wait3A_39 : memref<16x1024xf32, #tpu.memory_space<hbm>>) dst(%arg11 : memref<16x1024xf32, #tpu.memory_space<vmem>>)
        tpu.yield
      }) : () -> ()
      %dma_start3A = arith.constant 0 : i32
      %dma_start3A_14 = arith.constant 0 : i32
      %dma_start3A_15 = tpu.memref_slice %arg3[%dma_start3A, %dma_start3A_14] : memref<5120x1024xf32, #tpu.memory_space<hbm>> -> memref<5120x1024xf32, #tpu.memory_space<hbm>>
      tpu.enqueue_indirect_dma source(%dma_start3A_15 : memref<5120x1024xf32, #tpu.memory_space<hbm>>) target(%arg9 : memref<16x1024xf32, #tpu.memory_space<vmem>>) offsets(%arg13 : memref<16xi32, #tpu.memory_space<vmem>>) semaphore(%arg17 : memref<!tpu.dma_semaphore, #tpu.memory_space<semaphore_mem>>)
      %dma_wait3A = arith.constant 0 : i32
      %dma_wait3A_16 = arith.constant 0 : i32
      %dma_wait3A_17 = tpu.memref_slice %arg3[%dma_wait3A, %dma_wait3A_16] : memref<5120x1024xf32, #tpu.memory_space<hbm>> -> memref<5120x1024xf32, #tpu.memory_space<hbm>>
      tpu.wait_indirect_dma semaphore(%arg17 : memref<!tpu.dma_semaphore, #tpu.memory_space<semaphore_mem>>) src(%dma_wait3A_17 : memref<5120x1024xf32, #tpu.memory_space<hbm>>) dst(%arg9 : memref<16x1024xf32, #tpu.memory_space<vmem>>)
      %dma_start3A_18 = arith.constant 0 : i32
      %dma_start3A_19 = arith.constant 0 : i32
      %dma_start3A_20 = tpu.memref_slice %arg3[%dma_start3A_18, %dma_start3A_19] : memref<5120x1024xf32, #tpu.memory_space<hbm>> -> memref<5120x1024xf32, #tpu.memory_space<hbm>>
      tpu.enqueue_indirect_dma source(%dma_start3A_20 : memref<5120x1024xf32, #tpu.memory_space<hbm>>) target(%arg10 : memref<16x1024xf32, #tpu.memory_space<vmem>>) offsets(%arg14 : memref<16xi32, #tpu.memory_space<vmem>>) semaphore(%arg17 : memref<!tpu.dma_semaphore, #tpu.memory_space<semaphore_mem>>)
      %dma_wait3A_21 = arith.constant 0 : i32
      %dma_wait3A_22 = arith.constant 0 : i32
      %dma_wait3A_23 = tpu.memref_slice %arg3[%dma_wait3A_21, %dma_wait3A_22] : memref<5120x1024xf32, #tpu.memory_space<hbm>> -> memref<5120x1024xf32, #tpu.memory_space<hbm>>
      tpu.wait_indirect_dma semaphore(%arg17 : memref<!tpu.dma_semaphore, #tpu.memory_space<semaphore_mem>>) src(%dma_wait3A_23 : memref<5120x1024xf32, #tpu.memory_space<hbm>>) dst(%arg10 : memref<16x1024xf32, #tpu.memory_space<vmem>>)
      %scan3A_24 = arith.constant 0 : i32
      %scan3A_25 = arith.constant 0 : i32
      %scan3A_26 = arith.constant 64 : i32
      %scan3A_27 = arith.addi %scan3A_25, %scan3A_26 : i32
      %scan3A_28 = arith.constant 1 : i32
      %scan3A_29 = scf.for %scan3A_32 = %scan3A_25 to %scan3A_27 step %scan3A_28 iter_args(%scan3A_33 = %scan3A_24) -> (i32)  : i32 {
        %mul3A_34 = arith.constant 16 : i32
        %mul3A_35 = arith.muli %scan3A_32, %mul3A_34 : i32
        %get3A = arith.constant 0 : i32
        %get3A_36 = arith.index_cast %get3A : i32 to index
        %get3A_37 = arith.index_cast %mul3A_35 : i32 to index
        %get3A_38 = tpu.vector_load %arg11[%get3A_36, %get3A_37] {strides = array<i32>} : memref<16x1024xf32, #tpu.memory_space<vmem>>, vector<1x16xf32>,
        %get3A_39 = vector.shape_cast %get3A_38 : vector<1x16xf32> to vector<16xf32>
        %get3A_40 = arith.constant 0 : i32
        %get3A_41 = arith.index_cast %get3A_40 : i32 to index
        %get3A_42 = arith.constant 0 : index
        %get3A_43 = tpu.vector_load %arg15[%get3A_41, %get3A_42] {strides = array<i32>} : memref<16x16xf32, #tpu.memory_space<vmem>>, vector<1x16xf32>,
        %get3A_44 = vector.shape_cast %get3A_43 : vector<1x16xf32> to vector<16xf32>
        %get3A_45 = arith.constant 0 : i32
        %get3A_46 = arith.index_cast %get3A_45 : i32 to index
        %get3A_47 = arith.index_cast %mul3A_35 : i32 to index
        %get3A_48 = tpu.vector_load %arg9[%get3A_46, %get3A_47] {strides = array<i32>} : memref<16x1024xf32, #tpu.memory_space<vmem>>, vector<1x16xf32>,
        %get3A_49 = vector.shape_cast %get3A_48 : vector<1x16xf32> to vector<16xf32>
        %mul3A_50 = arith.mulf %get3A_44, %get3A_49 : vector<16xf32>
        %add3A_51 = arith.addf %get3A_39, %mul3A_50 : vector<16xf32>
        %get3A_52 = arith.constant 0 : i32
        %get3A_53 = arith.index_cast %get3A_52 : i32 to index
        %get3A_54 = arith.constant 0 : index
        %get3A_55 = tpu.vector_load %arg16[%get3A_53, %get3A_54] {strides = array<i32>} : memref<16x16xf32, #tpu.memory_space<vmem>>, vector<1x16xf32>,
        %get3A_56 = vector.shape_cast %get3A_55 : vector<1x16xf32> to vector<16xf32>
        %get3A_57 = arith.constant 0 : i32
        %get3A_58 = arith.index_cast %get3A_57 : i32 to index
        %get3A_59 = arith.index_cast %mul3A_35 : i32 to index
        %get3A_60 = tpu.vector_load %arg10[%get3A_58, %get3A_59] {strides = array<i32>} : memref<16x1024xf32, #tpu.memory_space<vmem>>, vector<1x16xf32>,
        %get3A_61 = vector.shape_cast %get3A_60 : vector<1x16xf32> to vector<16xf32>
        %mul3A_62 = arith.mulf %get3A_56, %get3A_61 : vector<16xf32>
        %add3A_63 = arith.addf %add3A_51, %mul3A_62 : vector<16xf32>
        %swap3A = arith.constant 0 : i32
        %swap3A_64 = arith.index_cast %swap3A : i32 to index
        %swap3A_65 = arith.index_cast %mul3A_35 : i32 to index
        %swap3A_66 = tpu.vector_load %arg12[%swap3A_64, %swap3A_65] {strides = array<i32>} : memref<16x1024xf32, #tpu.memory_space<vmem>>, vector<1x16xf32>,
        %swap3A_67 = vector.shape_cast %swap3A_66 : vector<1x16xf32> to vector<16xf32>
        %swap3A_68 = vector.shape_cast %add3A_63 : vector<16xf32> to vector<1x16xf32>
        tpu.vector_store %arg12[%swap3A_64, %swap3A_65], %swap3A_68 {strides = array<i32>} : memref<16x1024xf32, #tpu.memory_space<vmem>>, vector<1x16xf32>,
        %get3A_69 = arith.constant 1 : i32
        %get3A_70 = arith.index_cast %get3A_69 : i32 to index
        %get3A_71 = arith.index_cast %mul3A_35 : i32 to index
        %get3A_72 = tpu.vector_load %arg11[%get3A_70, %get3A_71] {strides = array<i32>} : memref<16x1024xf32, #tpu.memory_space<vmem>>, vector<1x16xf32>,
        %get3A_73 = vector.shape_cast %get3A_72 : vector<1x16xf32> to vector<16xf32>
        %get3A_74 = arith.constant 1 : i32
        %get3A_75 = arith.index_cast %get3A_74 : i32 to index
        %get3A_76 = arith.constant 0 : index
        %get3A_77 = tpu.vector_load %arg15[%get3A_75, %get3A_76] {strides = array<i32>} : memref<16x16xf32, #tpu.memory_space<vmem>>, vector<1x16xf32>,
        %get3A_78 = vector.shape_cast %get3A_77 : vector<1x16xf32> to vector<16xf32>
        %get3A_79 = arith.constant 1 : i32
        %get3A_80 = arith.index_cast %get3A_79 : i32 to index
        %get3A_81 = arith.index_cast %mul3A_35 : i32 to index
        %get3A_82 = tpu.vector_load %arg9[%get3A_80, %get3A_81] {strides = array<i32>} : memref<16x1024xf32, #tpu.memory_space<vmem>>, vector<1x16xf32>,
        %get3A_83 = vector.shape_cast %get3A_82 : vector<1x16xf32> to vector<16xf32>
        %mul3A_84 = arith.mulf %get3A_78, %get3A_83 : vector<16xf32>
        %add3A_85 = arith.addf %get3A_73, %mul3A_84 : vector<16xf32>
        %get3A_86 = arith.constant 1 : i32
        %get3A_87 = arith.index_cast %get3A_86 : i32 to index
        %get3A_88 = arith.constant 0 : index
        %get3A_89 = tpu.vector_load %arg16[%get3A_87, %get3A_88] {strides = array<i32>} : memref<16x16xf32, #tpu.memory_space<vmem>>, vector<1x16xf32>,
        %get3A_90 = vector.shape_cast %get3A_89 : vector<1x16xf32> to vector<16xf32>
        %get3A_91 = arith.constant 1 : i32
        %get3A_92 = arith.index_cast %get3A_91 : i32 to index
        %get3A_93 = arith.index_cast %mul3A_35 : i32 to index
        %get3A_94 = tpu.vector_load %arg10[%get3A_92, %get3A_93] {strides = array<i32>} : memref<16x1024xf32, #tpu.memory_space<vmem>>, vector<1x16xf32>,
        %get3A_95 = vector.shape_cast %get3A_94 : vector<1x16xf32> to vector<16xf32>
        %mul3A_96 = arith.mulf %get3A_90, %get3A_95 : vector<16xf32>
        %add3A_97 = arith.addf %add3A_85, %mul3A_96 : vector<16xf32>
        %swap3A_98 = arith.constant 1 : i32
        %swap3A_99 = arith.index_cast %swap3A_98 : i32 to index
        %swap3A_100 = arith.index_cast %mul3A_35 : i32 to index
        %swap3A_101 = tpu.vector_load %arg12[%swap3A_99, %swap3A_100] {strides = array<i32>} : memref<16x1024xf32, #tpu.memory_space<vmem>>, vector<1x16xf32>,
        %swap3A_102 = vector.shape_cast %swap3A_101 : vector<1x16xf32> to vector<16xf32>
        %swap3A_103 = vector.shape_cast %add3A_97 : vector<16xf32> to vector<1x16xf32>
        tpu.vector_store %arg12[%swap3A_99, %swap3A_100], %swap3A_103 {strides = array<i32>} : memref<16x1024xf32, #tpu.memory_space<vmem>>, vector<1x16xf32>,
        %get3A_104 = arith.constant 2 : i32
        %get3A_105 = arith.index_cast %get3A_104 : i32 to index
        %get3A_106 = arith.index_cast %mul3A_35 : i32 to index
        %get3A_107 = tpu.vector_load %arg11[%get3A_105, %get3A_106] {strides = array<i32>} : memref<16x1024xf32, #tpu.memory_space<vmem>>, vector<1x16xf32>,
        %get3A_108 = vector.shape_cast %get3A_107 : vector<1x16xf32> to vector<16xf32>
        %get3A_109 = arith.constant 2 : i32
        %get3A_110 = arith.index_cast %get3A_109 : i32 to index
        %get3A_111 = arith.constant 0 : index
        %get3A_112 = tpu.vector_load %arg15[%get3A_110, %get3A_111] {strides = array<i32>} : memref<16x16xf32, #tpu.memory_space<vmem>>, vector<1x16xf32>,
        %get3A_113 = vector.shape_cast %get3A_112 : vector<1x16xf32> to vector<16xf32>
        %get3A_114 = arith.constant 2 : i32
        %get3A_115 = arith.index_cast %get3A_114 : i32 to index
        %get3A_116 = arith.index_cast %mul3A_35 : i32 to index
        %get3A_117 = tpu.vector_load %arg9[%get3A_115, %get3A_116] {strides = array<i32>} : memref<16x1024xf32, #tpu.memory_space<vmem>>, vector<1x16xf32>,
        %get3A_118 = vector.shape_cast %get3A_117 : vector<1x16xf32> to vector<16xf32>
        %mul3A_119 = arith.mulf %get3A_113, %get3A_118 : vector<16xf32>
        %add3A_120 = arith.addf %get3A_108, %mul3A_119 : vector<16xf32>
        %get3A_121 = arith.constant 2 : i32
        %get3A_122 = arith.index_cast %get3A_121 : i32 to index
        %get3A_123 = arith.constant 0 : index
        %get3A_124 = tpu.vector_load %arg16[%get3A_122, %get3A_123] {strides = array<i32>} : memref<16x16xf32, #tpu.memory_space<vmem>>, vector<1x16xf32>,
        %get3A_125 = vector.shape_cast %get3A_124 : vector<1x16xf32> to vector<16xf32>
        %get3A_126 = arith.constant 2 : i32
        %get3A_127 = arith.index_cast %get3A_126 : i32 to index
        %get3A_128 = arith.index_cast %mul3A_35 : i32 to index
        %get3A_129 = tpu.vector_load %arg10[%get3A_127, %get3A_128] {strides = array<i32>} : memref<16x1024xf32, #tpu.memory_space<vmem>>, vector<1x16xf32>,
        %get3A_130 = vector.shape_cast %get3A_129 : vector<1x16xf32> to vector<16xf32>
        %mul3A_131 = arith.mulf %get3A_125, %get3A_130 : vector<16xf32>
        %add3A_132 = arith.addf %add3A_120, %mul3A_131 : vector<16xf32>
        %swap3A_133 = arith.constant 2 : i32
        %swap3A_134 = arith.index_cast %swap3A_133 : i32 to index
        %swap3A_135 = arith.index_cast %mul3A_35 : i32 to index
        %swap3A_136 = tpu.vector_load %arg12[%swap3A_134, %swap3A_135] {strides = array<i32>} : memref<16x1024xf32, #tpu.memory_space<vmem>>, vector<1x16xf32>,
        %swap3A_137 = vector.shape_cast %swap3A_136 : vector<1x16xf32> to vector<16xf32>
        %swap3A_138 = vector.shape_cast %add3A_132 : vector<16xf32> to vector<1x16xf32>
        tpu.vector_store %arg12[%swap3A_134, %swap3A_135], %swap3A_138 {strides = array<i32>} : memref<16x1024xf32, #tpu.memory_space<vmem>>, vector<1x16xf32>,
        %get3A_139 = arith.constant 3 : i32
        %get3A_140 = arith.index_cast %get3A_139 : i32 to index
        %get3A_141 = arith.index_cast %mul3A_35 : i32 to index
        %get3A_142 = tpu.vector_load %arg11[%get3A_140, %get3A_141] {strides = array<i32>} : memref<16x1024xf32, #tpu.memory_space<vmem>>, vector<1x16xf32>,
        %get3A_143 = vector.shape_cast %get3A_142 : vector<1x16xf32> to vector<16xf32>
        %get3A_144 = arith.constant 3 : i32
        %get3A_145 = arith.index_cast %get3A_144 : i32 to index
        %get3A_146 = arith.constant 0 : index
        %get3A_147 = tpu.vector_load %arg15[%get3A_145, %get3A_146] {strides = array<i32>} : memref<16x16xf32, #tpu.memory_space<vmem>>, vector<1x16xf32>,
        %get3A_148 = vector.shape_cast %get3A_147 : vector<1x16xf32> to vector<16xf32>
        %get3A_149 = arith.constant 3 : i32
        %get3A_150 = arith.index_cast %get3A_149 : i32 to index
        %get3A_151 = arith.index_cast %mul3A_35 : i32 to index
        %get3A_152 = tpu.vector_load %arg9[%get3A_150, %get3A_151] {strides = array<i32>} : memref<16x1024xf32, #tpu.memory_space<vmem>>, vector<1x16xf32>,
        %get3A_153 = vector.shape_cast %get3A_152 : vector<1x16xf32> to vector<16xf32>
        %mul3A_154 = arith.mulf %get3A_148, %get3A_153 : vector<16xf32>
        %add3A_155 = arith.addf %get3A_143, %mul3A_154 : vector<16xf32>
        %get3A_156 = arith.constant 3 : i32
        %get3A_157 = arith.index_cast %get3A_156 : i32 to index
        %get3A_158 = arith.constant 0 : index
        %get3A_159 = tpu.vector_load %arg16[%get3A_157, %get3A_158] {strides = array<i32>} : memref<16x16xf32, #tpu.memory_space<vmem>>, vector<1x16xf32>,
        %get3A_160 = vector.shape_cast %get3A_159 : vector<1x16xf32> to vector<16xf32>
        %get3A_161 = arith.constant 3 : i32
        %get3A_162 = arith.index_cast %get3A_161 : i32 to index
        %get3A_163 = arith.index_cast %mul3A_35 : i32 to index
        %get3A_164 = tpu.vector_load %arg10[%get3A_162, %get3A_163] {strides = array<i32>} : memref<16x1024xf32, #tpu.memory_space<vmem>>, vector<1x16xf32>,
        %get3A_165 = vector.shape_cast %get3A_164 : vector<1x16xf32> to vector<16xf32>
        %mul3A_166 = arith.mulf %get3A_160, %get3A_165 : vector<16xf32>
        %add3A_167 = arith.addf %add3A_155, %mul3A_166 : vector<16xf32>
        %swap3A_168 = arith.constant 3 : i32
        %swap3A_169 = arith.index_cast %swap3A_168 : i32 to index
        %swap3A_170 = arith.index_cast %mul3A_35 : i32 to index
        %swap3A_171 = tpu.vector_load %arg12[%swap3A_169, %swap3A_170] {strides = array<i32>} : memref<16x1024xf32, #tpu.memory_space<vmem>>, vector<1x16xf32>,
        %swap3A_172 = vector.shape_cast %swap3A_171 : vector<1x16xf32> to vector<16xf32>
        %swap3A_173 = vector.shape_cast %add3A_167 : vector<16xf32> to vector<1x16xf32>
        tpu.vector_store %arg12[%swap3A_169, %swap3A_170], %swap3A_173 {strides = array<i32>} : memref<16x1024xf32, #tpu.memory_space<vmem>>, vector<1x16xf32>,
        %get3A_174 = arith.constant 4 : i32
        %get3A_175 = arith.index_cast %get3A_174 : i32 to index
        %get3A_176 = arith.index_cast %mul3A_35 : i32 to index
        %get3A_177 = tpu.vector_load %arg11[%get3A_175, %get3A_176] {strides = array<i32>} : memref<16x1024xf32, #tpu.memory_space<vmem>>, vector<1x16xf32>,
        %get3A_178 = vector.shape_cast %get3A_177 : vector<1x16xf32> to vector<16xf32>
        %get3A_179 = arith.constant 4 : i32
        %get3A_180 = arith.index_cast %get3A_179 : i32 to index
        %get3A_181 = arith.constant 0 : index
        %get3A_182 = tpu.vector_load %arg15[%get3A_180, %get3A_181] {strides = array<i32>} : memref<16x16xf32, #tpu.memory_space<vmem>>, vector<1x16xf32>,
        %get3A_183 = vector.shape_cast %get3A_182 : vector<1x16xf32> to vector<16xf32>
        %get3A_184 = arith.constant 4 : i32
        %get3A_185 = arith.index_cast %get3A_184 : i32 to index
        %get3A_186 = arith.index_cast %mul3A_35 : i32 to index
        %get3A_187 = tpu.vector_load %arg9[%get3A_185, %get3A_186] {strides = array<i32>} : memref<16x1024xf32, #tpu.memory_space<vmem>>, vector<1x16xf32>,
        %get3A_188 = vector.shape_cast %get3A_187 : vector<1x16xf32> to vector<16xf32>
        %mul3A_189 = arith.mulf %get3A_183, %get3A_188 : vector<16xf32>
        %add3A_190 = arith.addf %get3A_178, %mul3A_189 : vector<16xf32>
        %get3A_191 = arith.constant 4 : i32
        %get3A_192 = arith.index_cast %get3A_191 : i32 to index
        %get3A_193 = arith.constant 0 : index
        %get3A_194 = tpu.vector_load %arg16[%get3A_192, %get3A_193] {strides = array<i32>} : memref<16x16xf32, #tpu.memory_space<vmem>>, vector<1x16xf32>,
        %get3A_195 = vector.shape_cast %get3A_194 : vector<1x16xf32> to vector<16xf32>
        %get3A_196 = arith.constant 4 : i32
        %get3A_197 = arith.index_cast %get3A_196 : i32 to index
        %get3A_198 = arith.index_cast %mul3A_35 : i32 to index
        %get3A_199 = tpu.vector_load %arg10[%get3A_197, %get3A_198] {strides = array<i32>} : memref<16x1024xf32, #tpu.memory_space<vmem>>, vector<1x16xf32>,
        %get3A_200 = vector.shape_cast %get3A_199 : vector<1x16xf32> to vector<16xf32>
        %mul3A_201 = arith.mulf %get3A_195, %get3A_200 : vector<16xf32>
        %add3A_202 = arith.addf %add3A_190, %mul3A_201 : vector<16xf32>
        %swap3A_203 = arith.constant 4 : i32
        %swap3A_204 = arith.index_cast %swap3A_203 : i32 to index
        %swap3A_205 = arith.index_cast %mul3A_35 : i32 to index
        %swap3A_206 = tpu.vector_load %arg12[%swap3A_204, %swap3A_205] {strides = array<i32>} : memref<16x1024xf32, #tpu.memory_space<vmem>>, vector<1x16xf32>,
        %swap3A_207 = vector.shape_cast %swap3A_206 : vector<1x16xf32> to vector<16xf32>
        %swap3A_208 = vector.shape_cast %add3A_202 : vector<16xf32> to vector<1x16xf32>
        tpu.vector_store %arg12[%swap3A_204, %swap3A_205], %swap3A_208 {strides = array<i32>} : memref<16x1024xf32, #tpu.memory_space<vmem>>, vector<1x16xf32>,
        %get3A_209 = arith.constant 5 : i32
        %get3A_210 = arith.index_cast %get3A_209 : i32 to index
        %get3A_211 = arith.index_cast %mul3A_35 : i32 to index
        %get3A_212 = tpu.vector_load %arg11[%get3A_210, %get3A_211] {strides = array<i32>} : memref<16x1024xf32, #tpu.memory_space<vmem>>, vector<1x16xf32>,
        %get3A_213 = vector.shape_cast %get3A_212 : vector<1x16xf32> to vector<16xf32>
        %get3A_214 = arith.constant 5 : i32
        %get3A_215 = arith.index_cast %get3A_214 : i32 to index
        %get3A_216 = arith.constant 0 : index
        %get3A_217 = tpu.vector_load %arg15[%get3A_215, %get3A_216] {strides = array<i32>} : memref<16x16xf32, #tpu.memory_space<vmem>>, vector<1x16xf32>,
        %get3A_218 = vector.shape_cast %get3A_217 : vector<1x16xf32> to vector<16xf32>
        %get3A_219 = arith.constant 5 : i32
        %get3A_220 = arith.index_cast %get3A_219 : i32 to index
        %get3A_221 = arith.index_cast %mul3A_35 : i32 to index
        %get3A_222 = tpu.vector_load %arg9[%get3A_220, %get3A_221] {strides = array<i32>} : memref<16x1024xf32, #tpu.memory_space<vmem>>, vector<1x16xf32>,
        %get3A_223 = vector.shape_cast %get3A_222 : vector<1x16xf32> to vector<16xf32>
        %mul3A_224 = arith.mulf %get3A_218, %get3A_223 : vector<16xf32>
        %add3A_225 = arith.addf %get3A_213, %mul3A_224 : vector<16xf32>
        %get3A_226 = arith.constant 5 : i32
        %get3A_227 = arith.index_cast %get3A_226 : i32 to index
        %get3A_228 = arith.constant 0 : index
        %get3A_229 = tpu.vector_load %arg16[%get3A_227, %get3A_228] {strides = array<i32>} : memref<16x16xf32, #tpu.memory_space<vmem>>, vector<1x16xf32>,
        %get3A_230 = vector.shape_cast %get3A_229 : vector<1x16xf32> to vector<16xf32>
        %get3A_231 = arith.constant 5 : i32
        %get3A_232 = arith.index_cast %get3A_231 : i32 to index
        %get3A_233 = arith.index_cast %mul3A_35 : i32 to index
        %get3A_234 = tpu.vector_load %arg10[%get3A_232, %get3A_233] {strides = array<i32>} : memref<16x1024xf32, #tpu.memory_space<vmem>>, vector<1x16xf32>,
        %get3A_235 = vector.shape_cast %get3A_234 : vector<1x16xf32> to vector<16xf32>
        %mul3A_236 = arith.mulf %get3A_230, %get3A_235 : vector<16xf32>
        %add3A_237 = arith.addf %add3A_225, %mul3A_236 : vector<16xf32>
        %swap3A_238 = arith.constant 5 : i32
        %swap3A_239 = arith.index_cast %swap3A_238 : i32 to index
        %swap3A_240 = arith.index_cast %mul3A_35 : i32 to index
        %swap3A_241 = tpu.vector_load %arg12[%swap3A_239, %swap3A_240] {strides = array<i32>} : memref<16x1024xf32, #tpu.memory_space<vmem>>, vector<1x16xf32>,
        %swap3A_242 = vector.shape_cast %swap3A_241 : vector<1x16xf32> to vector<16xf32>
        %swap3A_243 = vector.shape_cast %add3A_237 : vector<16xf32> to vector<1x16xf32>
        tpu.vector_store %arg12[%swap3A_239, %swap3A_240], %swap3A_243 {strides = array<i32>} : memref<16x1024xf32, #tpu.memory_space<vmem>>, vector<1x16xf32>,
        %get3A_244 = arith.constant 6 : i32
        %get3A_245 = arith.index_cast %get3A_244 : i32 to index
        %get3A_246 = arith.index_cast %mul3A_35 : i32 to index
        %get3A_247 = tpu.vector_load %arg11[%get3A_245, %get3A_246] {strides = array<i32>} : memref<16x1024xf32, #tpu.memory_space<vmem>>, vector<1x16xf32>,
        %get3A_248 = vector.shape_cast %get3A_247 : vector<1x16xf32> to vector<16xf32>
        %get3A_249 = arith.constant 6 : i32
        %get3A_250 = arith.index_cast %get3A_249 : i32 to index
        %get3A_251 = arith.constant 0 : index
        %get3A_252 = tpu.vector_load %arg15[%get3A_250, %get3A_251] {strides = array<i32>} : memref<16x16xf32, #tpu.memory_space<vmem>>, vector<1x16xf32>,
        %get3A_253 = vector.shape_cast %get3A_252 : vector<1x16xf32> to vector<16xf32>
        %get3A_254 = arith.constant 6 : i32
        %get3A_255 = arith.index_cast %get3A_254 : i32 to index
        %get3A_256 = arith.index_cast %mul3A_35 : i32 to index
        %get3A_257 = tpu.vector_load %arg9[%get3A_255, %get3A_256] {strides = array<i32>} : memref<16x1024xf32, #tpu.memory_space<vmem>>, vector<1x16xf32>,
        %get3A_258 = vector.shape_cast %get3A_257 : vector<1x16xf32> to vector<16xf32>
        %mul3A_259 = arith.mulf %get3A_253, %get3A_258 : vector<16xf32>
        %add3A_260 = arith.addf %get3A_248, %mul3A_259 : vector<16xf32>
        %get3A_261 = arith.constant 6 : i32
        %get3A_262 = arith.index_cast %get3A_261 : i32 to index
        %get3A_263 = arith.constant 0 : index
        %get3A_264 = tpu.vector_load %arg16[%get3A_262, %get3A_263] {strides = array<i32>} : memref<16x16xf32, #tpu.memory_space<vmem>>, vector<1x16xf32>,
        %get3A_265 = vector.shape_cast %get3A_264 : vector<1x16xf32> to vector<16xf32>
        %get3A_266 = arith.constant 6 : i32
        %get3A_267 = arith.index_cast %get3A_266 : i32 to index
        %get3A_268 = arith.index_cast %mul3A_35 : i32 to index
        %get3A_269 = tpu.vector_load %arg10[%get3A_267, %get3A_268] {strides = array<i32>} : memref<16x1024xf32, #tpu.memory_space<vmem>>, vector<1x16xf32>,
        %get3A_270 = vector.shape_cast %get3A_269 : vector<1x16xf32> to vector<16xf32>
        %mul3A_271 = arith.mulf %get3A_265, %get3A_270 : vector<16xf32>
        %add3A_272 = arith.addf %add3A_260, %mul3A_271 : vector<16xf32>
        %swap3A_273 = arith.constant 6 : i32
        %swap3A_274 = arith.index_cast %swap3A_273 : i32 to index
        %swap3A_275 = arith.index_cast %mul3A_35 : i32 to index
        %swap3A_276 = tpu.vector_load %arg12[%swap3A_274, %swap3A_275] {strides = array<i32>} : memref<16x1024xf32, #tpu.memory_space<vmem>>, vector<1x16xf32>,
        %swap3A_277 = vector.shape_cast %swap3A_276 : vector<1x16xf32> to vector<16xf32>
        %swap3A_278 = vector.shape_cast %add3A_272 : vector<16xf32> to vector<1x16xf32>
        tpu.vector_store %arg12[%swap3A_274, %swap3A_275], %swap3A_278 {strides = array<i32>} : memref<16x1024xf32, #tpu.memory_space<vmem>>, vector<1x16xf32>,
        %get3A_279 = arith.constant 7 : i32
        %get3A_280 = arith.index_cast %get3A_279 : i32 to index
        %get3A_281 = arith.index_cast %mul3A_35 : i32 to index
        %get3A_282 = tpu.vector_load %arg11[%get3A_280, %get3A_281] {strides = array<i32>} : memref<16x1024xf32, #tpu.memory_space<vmem>>, vector<1x16xf32>,
        %get3A_283 = vector.shape_cast %get3A_282 : vector<1x16xf32> to vector<16xf32>
        %get3A_284 = arith.constant 7 : i32
        %get3A_285 = arith.index_cast %get3A_284 : i32 to index
        %get3A_286 = arith.constant 0 : index
        %get3A_287 = tpu.vector_load %arg15[%get3A_285, %get3A_286] {strides = array<i32>} : memref<16x16xf32, #tpu.memory_space<vmem>>, vector<1x16xf32>,
        %get3A_288 = vector.shape_cast %get3A_287 : vector<1x16xf32> to vector<16xf32>
        %get3A_289 = arith.constant 7 : i32
        %get3A_290 = arith.index_cast %get3A_289 : i32 to index
        %get3A_291 = arith.index_cast %mul3A_35 : i32 to index
        %get3A_292 = tpu.vector_load %arg9[%get3A_290, %get3A_291] {strides = array<i32>} : memref<16x1024xf32, #tpu.memory_space<vmem>>, vector<1x16xf32>,
        %get3A_293 = vector.shape_cast %get3A_292 : vector<1x16xf32> to vector<16xf32>
        %mul3A_294 = arith.mulf %get3A_288, %get3A_293 : vector<16xf32>
        %add3A_295 = arith.addf %get3A_283, %mul3A_294 : vector<16xf32>
        %get3A_296 = arith.constant 7 : i32
        %get3A_297 = arith.index_cast %get3A_296 : i32 to index
        %get3A_298 = arith.constant 0 : index
        %get3A_299 = tpu.vector_load %arg16[%get3A_297, %get3A_298] {strides = array<i32>} : memref<16x16xf32, #tpu.memory_space<vmem>>, vector<1x16xf32>,
        %get3A_300 = vector.shape_cast %get3A_299 : vector<1x16xf32> to vector<16xf32>
        %get3A_301 = arith.constant 7 : i32
        %get3A_302 = arith.index_cast %get3A_301 : i32 to index
        %get3A_303 = arith.index_cast %mul3A_35 : i32 to index
        %get3A_304 = tpu.vector_load %arg10[%get3A_302, %get3A_303] {strides = array<i32>} : memref<16x1024xf32, #tpu.memory_space<vmem>>, vector<1x16xf32>,
        %get3A_305 = vector.shape_cast %get3A_304 : vector<1x16xf32> to vector<16xf32>
        %mul3A_306 = arith.mulf %get3A_300, %get3A_305 : vector<16xf32>
        %add3A_307 = arith.addf %add3A_295, %mul3A_306 : vector<16xf32>
        %swap3A_308 = arith.constant 7 : i32
        %swap3A_309 = arith.index_cast %swap3A_308 : i32 to index
        %swap3A_310 = arith.index_cast %mul3A_35 : i32 to index
        %swap3A_311 = tpu.vector_load %arg12[%swap3A_309, %swap3A_310] {strides = array<i32>} : memref<16x1024xf32, #tpu.memory_space<vmem>>, vector<1x16xf32>,
        %swap3A_312 = vector.shape_cast %swap3A_311 : vector<1x16xf32> to vector<16xf32>
        %swap3A_313 = vector.shape_cast %add3A_307 : vector<16xf32> to vector<1x16xf32>
        tpu.vector_store %arg12[%swap3A_309, %swap3A_310], %swap3A_313 {strides = array<i32>} : memref<16x1024xf32, #tpu.memory_space<vmem>>, vector<1x16xf32>,
        %get3A_314 = arith.constant 8 : i32
        %get3A_315 = arith.index_cast %get3A_314 : i32 to index
        %get3A_316 = arith.index_cast %mul3A_35 : i32 to index
        %get3A_317 = tpu.vector_load %arg11[%get3A_315, %get3A_316] {strides = array<i32>} : memref<16x1024xf32, #tpu.memory_space<vmem>>, vector<1x16xf32>,
        %get3A_318 = vector.shape_cast %get3A_317 : vector<1x16xf32> to vector<16xf32>
        %get3A_319 = arith.constant 8 : i32
        %get3A_320 = arith.index_cast %get3A_319 : i32 to index
        %get3A_321 = arith.constant 0 : index
        %get3A_322 = tpu.vector_load %arg15[%get3A_320, %get3A_321] {strides = array<i32>} : memref<16x16xf32, #tpu.memory_space<vmem>>, vector<1x16xf32>,
        %get3A_323 = vector.shape_cast %get3A_322 : vector<1x16xf32> to vector<16xf32>
        %get3A_324 = arith.constant 8 : i32
        %get3A_325 = arith.index_cast %get3A_324 : i32 to index
        %get3A_326 = arith.index_cast %mul3A_35 : i32 to index
        %get3A_327 = tpu.vector_load %arg9[%get3A_325, %get3A_326] {strides = array<i32>} : memref<16x1024xf32, #tpu.memory_space<vmem>>, vector<1x16xf32>,
        %get3A_328 = vector.shape_cast %get3A_327 : vector<1x16xf32> to vector<16xf32>
        %mul3A_329 = arith.mulf %get3A_323, %get3A_328 : vector<16xf32>
        %add3A_330 = arith.addf %get3A_318, %mul3A_329 : vector<16xf32>
        %get3A_331 = arith.constant 8 : i32
        %get3A_332 = arith.index_cast %get3A_331 : i32 to index
        %get3A_333 = arith.constant 0 : index
        %get3A_334 = tpu.vector_load %arg16[%get3A_332, %get3A_333] {strides = array<i32>} : memref<16x16xf32, #tpu.memory_space<vmem>>, vector<1x16xf32>,
        %get3A_335 = vector.shape_cast %get3A_334 : vector<1x16xf32> to vector<16xf32>
        %get3A_336 = arith.constant 8 : i32
        %get3A_337 = arith.index_cast %get3A_336 : i32 to index
        %get3A_338 = arith.index_cast %mul3A_35 : i32 to index
        %get3A_339 = tpu.vector_load %arg10[%get3A_337, %get3A_338] {strides = array<i32>} : memref<16x1024xf32, #tpu.memory_space<vmem>>, vector<1x16xf32>,
        %get3A_340 = vector.shape_cast %get3A_339 : vector<1x16xf32> to vector<16xf32>
        %mul3A_341 = arith.mulf %get3A_335, %get3A_340 : vector<16xf32>
        %add3A_342 = arith.addf %add3A_330, %mul3A_341 : vector<16xf32>
        %swap3A_343 = arith.constant 8 : i32
        %swap3A_344 = arith.index_cast %swap3A_343 : i32 to index
        %swap3A_345 = arith.index_cast %mul3A_35 : i32 to index
        %swap3A_346 = tpu.vector_load %arg12[%swap3A_344, %swap3A_345] {strides = array<i32>} : memref<16x1024xf32, #tpu.memory_space<vmem>>, vector<1x16xf32>,
        %swap3A_347 = vector.shape_cast %swap3A_346 : vector<1x16xf32> to vector<16xf32>
        %swap3A_348 = vector.shape_cast %add3A_342 : vector<16xf32> to vector<1x16xf32>
        tpu.vector_store %arg12[%swap3A_344, %swap3A_345], %swap3A_348 {strides = array<i32>} : memref<16x1024xf32, #tpu.memory_space<vmem>>, vector<1x16xf32>,
        %get3A_349 = arith.constant 9 : i32
        %get3A_350 = arith.index_cast %get3A_349 : i32 to index
        %get3A_351 = arith.index_cast %mul3A_35 : i32 to index
        %get3A_352 = tpu.vector_load %arg11[%get3A_350, %get3A_351] {strides = array<i32>} : memref<16x1024xf32, #tpu.memory_space<vmem>>, vector<1x16xf32>,
        %get3A_353 = vector.shape_cast %get3A_352 : vector<1x16xf32> to vector<16xf32>
        %get3A_354 = arith.constant 9 : i32
        %get3A_355 = arith.index_cast %get3A_354 : i32 to index
        %get3A_356 = arith.constant 0 : index
        %get3A_357 = tpu.vector_load %arg15[%get3A_355, %get3A_356] {strides = array<i32>} : memref<16x16xf32, #tpu.memory_space<vmem>>, vector<1x16xf32>,
        %get3A_358 = vector.shape_cast %get3A_357 : vector<1x16xf32> to vector<16xf32>
        %get3A_359 = arith.constant 9 : i32
        %get3A_360 = arith.index_cast %get3A_359 : i32 to index
        %get3A_361 = arith.index_cast %mul3A_35 : i32 to index
        %get3A_362 = tpu.vector_load %arg9[%get3A_360, %get3A_361] {strides = array<i32>} : memref<16x1024xf32, #tpu.memory_space<vmem>>, vector<1x16xf32>,
        %get3A_363 = vector.shape_cast %get3A_362 : vector<1x16xf32> to vector<16xf32>
        %mul3A_364 = arith.mulf %get3A_358, %get3A_363 : vector<16xf32>
        %add3A_365 = arith.addf %get3A_353, %mul3A_364 : vector<16xf32>
        %get3A_366 = arith.constant 9 : i32
        %get3A_367 = arith.index_cast %get3A_366 : i32 to index
        %get3A_368 = arith.constant 0 : index
        %get3A_369 = tpu.vector_load %arg16[%get3A_367, %get3A_368] {strides = array<i32>} : memref<16x16xf32, #tpu.memory_space<vmem>>, vector<1x16xf32>,
        %get3A_370 = vector.shape_cast %get3A_369 : vector<1x16xf32> to vector<16xf32>
        %get3A_371 = arith.constant 9 : i32
        %get3A_372 = arith.index_cast %get3A_371 : i32 to index
        %get3A_373 = arith.index_cast %mul3A_35 : i32 to index
        %get3A_374 = tpu.vector_load %arg10[%get3A_372, %get3A_373] {strides = array<i32>} : memref<16x1024xf32, #tpu.memory_space<vmem>>, vector<1x16xf32>,
        %get3A_375 = vector.shape_cast %get3A_374 : vector<1x16xf32> to vector<16xf32>
        %mul3A_376 = arith.mulf %get3A_370, %get3A_375 : vector<16xf32>
        %add3A_377 = arith.addf %add3A_365, %mul3A_376 : vector<16xf32>
        %swap3A_378 = arith.constant 9 : i32
        %swap3A_379 = arith.index_cast %swap3A_378 : i32 to index
        %swap3A_380 = arith.index_cast %mul3A_35 : i32 to index
        %swap3A_381 = tpu.vector_load %arg12[%swap3A_379, %swap3A_380] {strides = array<i32>} : memref<16x1024xf32, #tpu.memory_space<vmem>>, vector<1x16xf32>,
        %swap3A_382 = vector.shape_cast %swap3A_381 : vector<1x16xf32> to vector<16xf32>
        %swap3A_383 = vector.shape_cast %add3A_377 : vector<16xf32> to vector<1x16xf32>
        tpu.vector_store %arg12[%swap3A_379, %swap3A_380], %swap3A_383 {strides = array<i32>} : memref<16x1024xf32, #tpu.memory_space<vmem>>, vector<1x16xf32>,
        %get3A_384 = arith.constant 10 : i32
        %get3A_385 = arith.index_cast %get3A_384 : i32 to index
        %get3A_386 = arith.index_cast %mul3A_35 : i32 to index
        %get3A_387 = tpu.vector_load %arg11[%get3A_385, %get3A_386] {strides = array<i32>} : memref<16x1024xf32, #tpu.memory_space<vmem>>, vector<1x16xf32>,
        %get3A_388 = vector.shape_cast %get3A_387 : vector<1x16xf32> to vector<16xf32>
        %get3A_389 = arith.constant 10 : i32
        %get3A_390 = arith.index_cast %get3A_389 : i32 to index
        %get3A_391 = arith.constant 0 : index
        %get3A_392 = tpu.vector_load %arg15[%get3A_390, %get3A_391] {strides = array<i32>} : memref<16x16xf32, #tpu.memory_space<vmem>>, vector<1x16xf32>,
        %get3A_393 = vector.shape_cast %get3A_392 : vector<1x16xf32> to vector<16xf32>
        %get3A_394 = arith.constant 10 : i32
        %get3A_395 = arith.index_cast %get3A_394 : i32 to index
        %get3A_396 = arith.index_cast %mul3A_35 : i32 to index
        %get3A_397 = tpu.vector_load %arg9[%get3A_395, %get3A_396] {strides = array<i32>} : memref<16x1024xf32, #tpu.memory_space<vmem>>, vector<1x16xf32>,
        %get3A_398 = vector.shape_cast %get3A_397 : vector<1x16xf32> to vector<16xf32>
        %mul3A_399 = arith.mulf %get3A_393, %get3A_398 : vector<16xf32>
        %add3A_400 = arith.addf %get3A_388, %mul3A_399 : vector<16xf32>
        %get3A_401 = arith.constant 10 : i32
        %get3A_402 = arith.index_cast %get3A_401 : i32 to index
        %get3A_403 = arith.constant 0 : index
        %get3A_404 = tpu.vector_load %arg16[%get3A_402, %get3A_403] {strides = array<i32>} : memref<16x16xf32, #tpu.memory_space<vmem>>, vector<1x16xf32>,
        %get3A_405 = vector.shape_cast %get3A_404 : vector<1x16xf32> to vector<16xf32>
        %get3A_406 = arith.constant 10 : i32
        %get3A_407 = arith.index_cast %get3A_406 : i32 to index
        %get3A_408 = arith.index_cast %mul3A_35 : i32 to index
        %get3A_409 = tpu.vector_load %arg10[%get3A_407, %get3A_408] {strides = array<i32>} : memref<16x1024xf32, #tpu.memory_space<vmem>>, vector<1x16xf32>,
        %get3A_410 = vector.shape_cast %get3A_409 : vector<1x16xf32> to vector<16xf32>
        %mul3A_411 = arith.mulf %get3A_405, %get3A_410 : vector<16xf32>
        %add3A_412 = arith.addf %add3A_400, %mul3A_411 : vector<16xf32>
        %swap3A_413 = arith.constant 10 : i32
        %swap3A_414 = arith.index_cast %swap3A_413 : i32 to index
        %swap3A_415 = arith.index_cast %mul3A_35 : i32 to index
        %swap3A_416 = tpu.vector_load %arg12[%swap3A_414, %swap3A_415] {strides = array<i32>} : memref<16x1024xf32, #tpu.memory_space<vmem>>, vector<1x16xf32>,
        %swap3A_417 = vector.shape_cast %swap3A_416 : vector<1x16xf32> to vector<16xf32>
        %swap3A_418 = vector.shape_cast %add3A_412 : vector<16xf32> to vector<1x16xf32>
        tpu.vector_store %arg12[%swap3A_414, %swap3A_415], %swap3A_418 {strides = array<i32>} : memref<16x1024xf32, #tpu.memory_space<vmem>>, vector<1x16xf32>,
        %get3A_419 = arith.constant 11 : i32
        %get3A_420 = arith.index_cast %get3A_419 : i32 to index
        %get3A_421 = arith.index_cast %mul3A_35 : i32 to index
        %get3A_422 = tpu.vector_load %arg11[%get3A_420, %get3A_421] {strides = array<i32>} : memref<16x1024xf32, #tpu.memory_space<vmem>>, vector<1x16xf32>,
        %get3A_423 = vector.shape_cast %get3A_422 : vector<1x16xf32> to vector<16xf32>
        %get3A_424 = arith.constant 11 : i32
        %get3A_425 = arith.index_cast %get3A_424 : i32 to index
        %get3A_426 = arith.constant 0 : index
        %get3A_427 = tpu.vector_load %arg15[%get3A_425, %get3A_426] {strides = array<i32>} : memref<16x16xf32, #tpu.memory_space<vmem>>, vector<1x16xf32>,
        %get3A_428 = vector.shape_cast %get3A_427 : vector<1x16xf32> to vector<16xf32>
        %get3A_429 = arith.constant 11 : i32
        %get3A_430 = arith.index_cast %get3A_429 : i32 to index
        %get3A_431 = arith.index_cast %mul3A_35 : i32 to index
        %get3A_432 = tpu.vector_load %arg9[%get3A_430, %get3A_431] {strides = array<i32>} : memref<16x1024xf32, #tpu.memory_space<vmem>>, vector<1x16xf32>,
        %get3A_433 = vector.shape_cast %get3A_432 : vector<1x16xf32> to vector<16xf32>
        %mul3A_434 = arith.mulf %get3A_428, %get3A_433 : vector<16xf32>
        %add3A_435 = arith.addf %get3A_423, %mul3A_434 : vector<16xf32>
        %get3A_436 = arith.constant 11 : i32
        %get3A_437 = arith.index_cast %get3A_436 : i32 to index
        %get3A_438 = arith.constant 0 : index
        %get3A_439 = tpu.vector_load %arg16[%get3A_437, %get3A_438] {strides = array<i32>} : memref<16x16xf32, #tpu.memory_space<vmem>>, vector<1x16xf32>,
        %get3A_440 = vector.shape_cast %get3A_439 : vector<1x16xf32> to vector<16xf32>
        %get3A_441 = arith.constant 11 : i32
        %get3A_442 = arith.index_cast %get3A_441 : i32 to index
        %get3A_443 = arith.index_cast %mul3A_35 : i32 to index
        %get3A_444 = tpu.vector_load %arg10[%get3A_442, %get3A_443] {strides = array<i32>} : memref<16x1024xf32, #tpu.memory_space<vmem>>, vector<1x16xf32>,
        %get3A_445 = vector.shape_cast %get3A_444 : vector<1x16xf32> to vector<16xf32>
        %mul3A_446 = arith.mulf %get3A_440, %get3A_445 : vector<16xf32>
        %add3A_447 = arith.addf %add3A_435, %mul3A_446 : vector<16xf32>
        %swap3A_448 = arith.constant 11 : i32
        %swap3A_449 = arith.index_cast %swap3A_448 : i32 to index
        %swap3A_450 = arith.index_cast %mul3A_35 : i32 to index
        %swap3A_451 = tpu.vector_load %arg12[%swap3A_449, %swap3A_450] {strides = array<i32>} : memref<16x1024xf32, #tpu.memory_space<vmem>>, vector<1x16xf32>,
        %swap3A_452 = vector.shape_cast %swap3A_451 : vector<1x16xf32> to vector<16xf32>
        %swap3A_453 = vector.shape_cast %add3A_447 : vector<16xf32> to vector<1x16xf32>
        tpu.vector_store %arg12[%swap3A_449, %swap3A_450], %swap3A_453 {strides = array<i32>} : memref<16x1024xf32, #tpu.memory_space<vmem>>, vector<1x16xf32>,
        %get3A_454 = arith.constant 12 : i32
        %get3A_455 = arith.index_cast %get3A_454 : i32 to index
        %get3A_456 = arith.index_cast %mul3A_35 : i32 to index
        %get3A_457 = tpu.vector_load %arg11[%get3A_455, %get3A_456] {strides = array<i32>} : memref<16x1024xf32, #tpu.memory_space<vmem>>, vector<1x16xf32>,
        %get3A_458 = vector.shape_cast %get3A_457 : vector<1x16xf32> to vector<16xf32>
        %get3A_459 = arith.constant 12 : i32
        %get3A_460 = arith.index_cast %get3A_459 : i32 to index
        %get3A_461 = arith.constant 0 : index
        %get3A_462 = tpu.vector_load %arg15[%get3A_460, %get3A_461] {strides = array<i32>} : memref<16x16xf32, #tpu.memory_space<vmem>>, vector<1x16xf32>,
        %get3A_463 = vector.shape_cast %get3A_462 : vector<1x16xf32> to vector<16xf32>
        %get3A_464 = arith.constant 12 : i32
        %get3A_465 = arith.index_cast %get3A_464 : i32 to index
        %get3A_466 = arith.index_cast %mul3A_35 : i32 to index
        %get3A_467 = tpu.vector_load %arg9[%get3A_465, %get3A_466] {strides = array<i32>} : memref<16x1024xf32, #tpu.memory_space<vmem>>, vector<1x16xf32>,
        %get3A_468 = vector.shape_cast %get3A_467 : vector<1x16xf32> to vector<16xf32>
        %mul3A_469 = arith.mulf %get3A_463, %get3A_468 : vector<16xf32>
        %add3A_470 = arith.addf %get3A_458, %mul3A_469 : vector<16xf32>
        %get3A_471 = arith.constant 12 : i32
        %get3A_472 = arith.index_cast %get3A_471 : i32 to index
        %get3A_473 = arith.constant 0 : index
        %get3A_474 = tpu.vector_load %arg16[%get3A_472, %get3A_473] {strides = array<i32>} : memref<16x16xf32, #tpu.memory_space<vmem>>, vector<1x16xf32>,
        %get3A_475 = vector.shape_cast %get3A_474 : vector<1x16xf32> to vector<16xf32>
        %get3A_476 = arith.constant 12 : i32
        %get3A_477 = arith.index_cast %get3A_476 : i32 to index
        %get3A_478 = arith.index_cast %mul3A_35 : i32 to index
        %get3A_479 = tpu.vector_load %arg10[%get3A_477, %get3A_478] {strides = array<i32>} : memref<16x1024xf32, #tpu.memory_space<vmem>>, vector<1x16xf32>,
        %get3A_480 = vector.shape_cast %get3A_479 : vector<1x16xf32> to vector<16xf32>
        %mul3A_481 = arith.mulf %get3A_475, %get3A_480 : vector<16xf32>
        %add3A_482 = arith.addf %add3A_470, %mul3A_481 : vector<16xf32>
        %swap3A_483 = arith.constant 12 : i32
        %swap3A_484 = arith.index_cast %swap3A_483 : i32 to index
        %swap3A_485 = arith.index_cast %mul3A_35 : i32 to index
        %swap3A_486 = tpu.vector_load %arg12[%swap3A_484, %swap3A_485] {strides = array<i32>} : memref<16x1024xf32, #tpu.memory_space<vmem>>, vector<1x16xf32>,
        %swap3A_487 = vector.shape_cast %swap3A_486 : vector<1x16xf32> to vector<16xf32>
        %swap3A_488 = vector.shape_cast %add3A_482 : vector<16xf32> to vector<1x16xf32>
        tpu.vector_store %arg12[%swap3A_484, %swap3A_485], %swap3A_488 {strides = array<i32>} : memref<16x1024xf32, #tpu.memory_space<vmem>>, vector<1x16xf32>,
        %get3A_489 = arith.constant 13 : i32
        %get3A_490 = arith.index_cast %get3A_489 : i32 to index
        %get3A_491 = arith.index_cast %mul3A_35 : i32 to index
        %get3A_492 = tpu.vector_load %arg11[%get3A_490, %get3A_491] {strides = array<i32>} : memref<16x1024xf32, #tpu.memory_space<vmem>>, vector<1x16xf32>,
        %get3A_493 = vector.shape_cast %get3A_492 : vector<1x16xf32> to vector<16xf32>
        %get3A_494 = arith.constant 13 : i32
        %get3A_495 = arith.index_cast %get3A_494 : i32 to index
        %get3A_496 = arith.constant 0 : index
        %get3A_497 = tpu.vector_load %arg15[%get3A_495, %get3A_496] {strides = array<i32>} : memref<16x16xf32, #tpu.memory_space<vmem>>, vector<1x16xf32>,
        %get3A_498 = vector.shape_cast %get3A_497 : vector<1x16xf32> to vector<16xf32>
        %get3A_499 = arith.constant 13 : i32
        %get3A_500 = arith.index_cast %get3A_499 : i32 to index
        %get3A_501 = arith.index_cast %mul3A_35 : i32 to index
        %get3A_502 = tpu.vector_load %arg9[%get3A_500, %get3A_501] {strides = array<i32>} : memref<16x1024xf32, #tpu.memory_space<vmem>>, vector<1x16xf32>,
        %get3A_503 = vector.shape_cast %get3A_502 : vector<1x16xf32> to vector<16xf32>
        %mul3A_504 = arith.mulf %get3A_498, %get3A_503 : vector<16xf32>
        %add3A_505 = arith.addf %get3A_493, %mul3A_504 : vector<16xf32>
        %get3A_506 = arith.constant 13 : i32
        %get3A_507 = arith.index_cast %get3A_506 : i32 to index
        %get3A_508 = arith.constant 0 : index
        %get3A_509 = tpu.vector_load %arg16[%get3A_507, %get3A_508] {strides = array<i32>} : memref<16x16xf32, #tpu.memory_space<vmem>>, vector<1x16xf32>,
        %get3A_510 = vector.shape_cast %get3A_509 : vector<1x16xf32> to vector<16xf32>
        %get3A_511 = arith.constant 13 : i32
        %get3A_512 = arith.index_cast %get3A_511 : i32 to index
        %get3A_513 = arith.index_cast %mul3A_35 : i32 to index
        %get3A_514 = tpu.vector_load %arg10[%get3A_512, %get3A_513] {strides = array<i32>} : memref<16x1024xf32, #tpu.memory_space<vmem>>, vector<1x16xf32>,
        %get3A_515 = vector.shape_cast %get3A_514 : vector<1x16xf32> to vector<16xf32>
        %mul3A_516 = arith.mulf %get3A_510, %get3A_515 : vector<16xf32>
        %add3A_517 = arith.addf %add3A_505, %mul3A_516 : vector<16xf32>
        %swap3A_518 = arith.constant 13 : i32
        %swap3A_519 = arith.index_cast %swap3A_518 : i32 to index
        %swap3A_520 = arith.index_cast %mul3A_35 : i32 to index
        %swap3A_521 = tpu.vector_load %arg12[%swap3A_519, %swap3A_520] {strides = array<i32>} : memref<16x1024xf32, #tpu.memory_space<vmem>>, vector<1x16xf32>,
        %swap3A_522 = vector.shape_cast %swap3A_521 : vector<1x16xf32> to vector<16xf32>
        %swap3A_523 = vector.shape_cast %add3A_517 : vector<16xf32> to vector<1x16xf32>
        tpu.vector_store %arg12[%swap3A_519, %swap3A_520], %swap3A_523 {strides = array<i32>} : memref<16x1024xf32, #tpu.memory_space<vmem>>, vector<1x16xf32>,
        %get3A_524 = arith.constant 14 : i32
        %get3A_525 = arith.index_cast %get3A_524 : i32 to index
        %get3A_526 = arith.index_cast %mul3A_35 : i32 to index
        %get3A_527 = tpu.vector_load %arg11[%get3A_525, %get3A_526] {strides = array<i32>} : memref<16x1024xf32, #tpu.memory_space<vmem>>, vector<1x16xf32>,
        %get3A_528 = vector.shape_cast %get3A_527 : vector<1x16xf32> to vector<16xf32>
        %get3A_529 = arith.constant 14 : i32
        %get3A_530 = arith.index_cast %get3A_529 : i32 to index
        %get3A_531 = arith.constant 0 : index
        %get3A_532 = tpu.vector_load %arg15[%get3A_530, %get3A_531] {strides = array<i32>} : memref<16x16xf32, #tpu.memory_space<vmem>>, vector<1x16xf32>,
        %get3A_533 = vector.shape_cast %get3A_532 : vector<1x16xf32> to vector<16xf32>
        %get3A_534 = arith.constant 14 : i32
        %get3A_535 = arith.index_cast %get3A_534 : i32 to index
        %get3A_536 = arith.index_cast %mul3A_35 : i32 to index
        %get3A_537 = tpu.vector_load %arg9[%get3A_535, %get3A_536] {strides = array<i32>} : memref<16x1024xf32, #tpu.memory_space<vmem>>, vector<1x16xf32>,
        %get3A_538 = vector.shape_cast %get3A_537 : vector<1x16xf32> to vector<16xf32>
        %mul3A_539 = arith.mulf %get3A_533, %get3A_538 : vector<16xf32>
        %add3A_540 = arith.addf %get3A_528, %mul3A_539 : vector<16xf32>
        %get3A_541 = arith.constant 14 : i32
        %get3A_542 = arith.index_cast %get3A_541 : i32 to index
        %get3A_543 = arith.constant 0 : index
        %get3A_544 = tpu.vector_load %arg16[%get3A_542, %get3A_543] {strides = array<i32>} : memref<16x16xf32, #tpu.memory_space<vmem>>, vector<1x16xf32>,
        %get3A_545 = vector.shape_cast %get3A_544 : vector<1x16xf32> to vector<16xf32>
        %get3A_546 = arith.constant 14 : i32
        %get3A_547 = arith.index_cast %get3A_546 : i32 to index
        %get3A_548 = arith.index_cast %mul3A_35 : i32 to index
        %get3A_549 = tpu.vector_load %arg10[%get3A_547, %get3A_548] {strides = array<i32>} : memref<16x1024xf32, #tpu.memory_space<vmem>>, vector<1x16xf32>,
        %get3A_550 = vector.shape_cast %get3A_549 : vector<1x16xf32> to vector<16xf32>
        %mul3A_551 = arith.mulf %get3A_545, %get3A_550 : vector<16xf32>
        %add3A_552 = arith.addf %add3A_540, %mul3A_551 : vector<16xf32>
        %swap3A_553 = arith.constant 14 : i32
        %swap3A_554 = arith.index_cast %swap3A_553 : i32 to index
        %swap3A_555 = arith.index_cast %mul3A_35 : i32 to index
        %swap3A_556 = tpu.vector_load %arg12[%swap3A_554, %swap3A_555] {strides = array<i32>} : memref<16x1024xf32, #tpu.memory_space<vmem>>, vector<1x16xf32>,
        %swap3A_557 = vector.shape_cast %swap3A_556 : vector<1x16xf32> to vector<16xf32>
        %swap3A_558 = vector.shape_cast %add3A_552 : vector<16xf32> to vector<1x16xf32>
        tpu.vector_store %arg12[%swap3A_554, %swap3A_555], %swap3A_558 {strides = array<i32>} : memref<16x1024xf32, #tpu.memory_space<vmem>>, vector<1x16xf32>,
        %get3A_559 = arith.constant 15 : i32
        %get3A_560 = arith.index_cast %get3A_559 : i32 to index
        %get3A_561 = arith.index_cast %mul3A_35 : i32 to index
        %get3A_562 = tpu.vector_load %arg11[%get3A_560, %get3A_561] {strides = array<i32>} : memref<16x1024xf32, #tpu.memory_space<vmem>>, vector<1x16xf32>,
        %get3A_563 = vector.shape_cast %get3A_562 : vector<1x16xf32> to vector<16xf32>
        %get3A_564 = arith.constant 15 : i32
        %get3A_565 = arith.index_cast %get3A_564 : i32 to index
        %get3A_566 = arith.constant 0 : index
        %get3A_567 = tpu.vector_load %arg15[%get3A_565, %get3A_566] {strides = array<i32>} : memref<16x16xf32, #tpu.memory_space<vmem>>, vector<1x16xf32>,
        %get3A_568 = vector.shape_cast %get3A_567 : vector<1x16xf32> to vector<16xf32>
        %get3A_569 = arith.constant 15 : i32
        %get3A_570 = arith.index_cast %get3A_569 : i32 to index
        %get3A_571 = arith.index_cast %mul3A_35 : i32 to index
        %get3A_572 = tpu.vector_load %arg9[%get3A_570, %get3A_571] {strides = array<i32>} : memref<16x1024xf32, #tpu.memory_space<vmem>>, vector<1x16xf32>,
        %get3A_573 = vector.shape_cast %get3A_572 : vector<1x16xf32> to vector<16xf32>
        %mul3A_574 = arith.mulf %get3A_568, %get3A_573 : vector<16xf32>
        %add3A_575 = arith.addf %get3A_563, %mul3A_574 : vector<16xf32>
        %get3A_576 = arith.constant 15 : i32
        %get3A_577 = arith.index_cast %get3A_576 : i32 to index
        %get3A_578 = arith.constant 0 : index
        %get3A_579 = tpu.vector_load %arg16[%get3A_577, %get3A_578] {strides = array<i32>} : memref<16x16xf32, #tpu.memory_space<vmem>>, vector<1x16xf32>,
        %get3A_580 = vector.shape_cast %get3A_579 : vector<1x16xf32> to vector<16xf32>
        %get3A_581 = arith.constant 15 : i32
        %get3A_582 = arith.index_cast %get3A_581 : i32 to index
        %get3A_583 = arith.index_cast %mul3A_35 : i32 to index
        %get3A_584 = tpu.vector_load %arg10[%get3A_582, %get3A_583] {strides = array<i32>} : memref<16x1024xf32, #tpu.memory_space<vmem>>, vector<1x16xf32>,
        %get3A_585 = vector.shape_cast %get3A_584 : vector<1x16xf32> to vector<16xf32>
        %mul3A_586 = arith.mulf %get3A_580, %get3A_585 : vector<16xf32>
        %add3A_587 = arith.addf %add3A_575, %mul3A_586 : vector<16xf32>
        %swap3A_588 = arith.constant 15 : i32
        %swap3A_589 = arith.index_cast %swap3A_588 : i32 to index
        %swap3A_590 = arith.index_cast %mul3A_35 : i32 to index
        %swap3A_591 = tpu.vector_load %arg12[%swap3A_589, %swap3A_590] {strides = array<i32>} : memref<16x1024xf32, #tpu.memory_space<vmem>>, vector<1x16xf32>,
        %swap3A_592 = vector.shape_cast %swap3A_591 : vector<1x16xf32> to vector<16xf32>
        %swap3A_593 = vector.shape_cast %add3A_587 : vector<16xf32> to vector<1x16xf32>
        tpu.vector_store %arg12[%swap3A_589, %swap3A_590], %swap3A_593 {strides = array<i32>} : memref<16x1024xf32, #tpu.memory_space<vmem>>, vector<1x16xf32>,
        %scan3A_594 = arith.constant 0 : i32
        scf.yield %scan3A_594 : i32
      }
      %scan3A_30 = arith.constant 64 : i32
      "tpu.region"() ({
        %run_scoped3A = tpu.sem_alloc : memref<!tpu.dma_semaphore, #tpu.memory_space<semaphore_mem>>
        %dma_start3A_32 = arith.constant 0 : i32
        %dma_start3A_33 = tpu.memref_slice %arg8[%add3A_13, %dma_start3A_32] : memref<2048x1024xf32, #tpu.memory_space<hbm>> -> memref<16x1024xf32, #tpu.memory_space<hbm>>
        %dma_start3A_34 = arith.constant 0 : i32
        %dma_start3A_35 = tpu.memref_slice %arg8[%add3A_13, %dma_start3A_34] : memref<2048x1024xf32, #tpu.memory_space<hbm>> -> memref<16x1024xf32, #tpu.memory_space<hbm>>
        tpu.enqueue_dma source(%arg12 : memref<16x1024xf32, #tpu.memory_space<vmem>>) target(%dma_start3A_35 : memref<16x1024xf32, #tpu.memory_space<hbm>>) target_semaphore(%run_scoped3A : memref<!tpu.dma_semaphore, #tpu.memory_space<semaphore_mem>>)
        %dma_wait3A_36 = arith.constant 0 : i32
        %dma_wait3A_37 = tpu.memref_slice %arg8[%add3A_13, %dma_wait3A_36] : memref<2048x1024xf32, #tpu.memory_space<hbm>> -> memref<16x1024xf32, #tpu.memory_space<hbm>>
        %dma_wait3A_38 = arith.constant 0 : i32
        %dma_wait3A_39 = tpu.memref_slice %arg8[%add3A_13, %dma_wait3A_38] : memref<2048x1024xf32, #tpu.memory_space<hbm>> -> memref<16x1024xf32, #tpu.memory_space<hbm>>
        tpu.wait_dma2 semaphore(%run_scoped3A : memref<!tpu.dma_semaphore, #tpu.memory_space<semaphore_mem>>) src(%arg12 : memref<16x1024xf32, #tpu.memory_space<vmem>>) dst(%dma_wait3A_39 : memref<16x1024xf32, #tpu.memory_space<hbm>>)
        tpu.yield
      }) : () -> ()
      %scan3A_31 = arith.constant 0 : i32
      scf.yield %scan3A_31 : i32
    }
    %scan3A_8 = arith.constant 4 : i32
    return
  }
}

#map = affine_map<(d0, d1) -> (0, 0)>
#map1 = affine_map<(d0, d1) -> (0)>
module attributes {stable_mosaic.version = 14 : i64} {
  func.func @k(%arg0: i32, %arg1: i32, %arg2: memref<2048x1024xf32, #tpu.memory_space<hbm>>, %arg3: memref<2048xi32, #tpu.memory_space<hbm>>, %arg4: memref<2048xi32, #tpu.memory_space<hbm>>, %arg5: memref<5128x1024xf32, #tpu.memory_space<hbm>>, %arg6: memref<16x1024xf32, #tpu.memory_space<vmem>>, %arg7: memref<16xi32, #tpu.memory_space<vmem>>, %arg8: memref<16xi32, #tpu.memory_space<vmem>>, %arg9: memref<!tpu.dma_semaphore, #tpu.memory_space<semaphore_mem>>) attributes {dimension_semantics = [#tpu.dimension_semantics<core_parallel>, #tpu.dimension_semantics<subcore_parallel>], iteration_bounds = array<i64: 2, 16>, scalar_prefetch = 0 : i64, scratch_operands = 4 : i64, tpu.core_type = #tpu.core_type<sc_vector_subcore>, window_params = [{transform_indices = #map}, {transform_indices = #map1}, {transform_indices = #map1}, {transform_indices = #map}]} {
    %mul3A = arith.constant 2 : i32
    %mul3A_0 = arith.muli %arg1, %mul3A : i32
    %add3A = arith.addi %mul3A_0, %arg0 : i32
    %mul3A_1 = arith.constant 64 : i32
    %mul3A_2 = arith.muli %add3A, %mul3A_1 : i32
    %scan3A = arith.constant 0 : i32
    %scan3A_3 = arith.constant 0 : i32
    %scan3A_4 = arith.constant 4 : i32
    %scan3A_5 = arith.addi %scan3A_3, %scan3A_4 : i32
    %scan3A_6 = arith.constant 1 : i32
    %scan3A_7 = scf.for %scan3A_9 = %scan3A_3 to %scan3A_5 step %scan3A_6 iter_args(%scan3A_10 = %scan3A) -> (i32)  : i32 {
      %mul3A_11 = arith.constant 16 : i32
      %mul3A_12 = arith.muli %scan3A_9, %mul3A_11 : i32
      %add3A_13 = arith.addi %mul3A_2, %mul3A_12 : i32
      "tpu.region"() ({
        %run_scoped3A = tpu.sem_alloc : memref<!tpu.dma_semaphore, #tpu.memory_space<semaphore_mem>>
        %dma_start3A_25 = arith.constant 0 : i32
        %dma_start3A_26 = tpu.memref_slice %arg2[%add3A_13, %dma_start3A_25] : memref<2048x1024xf32, #tpu.memory_space<hbm>> -> memref<16x1024xf32, #tpu.memory_space<hbm>>
        %dma_start3A_27 = arith.constant 0 : i32
        %dma_start3A_28 = tpu.memref_slice %arg2[%add3A_13, %dma_start3A_27] : memref<2048x1024xf32, #tpu.memory_space<hbm>> -> memref<16x1024xf32, #tpu.memory_space<hbm>>
        tpu.enqueue_dma source(%dma_start3A_28 : memref<16x1024xf32, #tpu.memory_space<hbm>>) target(%arg6 : memref<16x1024xf32, #tpu.memory_space<vmem>>) target_semaphore(%run_scoped3A : memref<!tpu.dma_semaphore, #tpu.memory_space<semaphore_mem>>)
        %dma_wait3A_29 = arith.constant 0 : i32
        %dma_wait3A_30 = tpu.memref_slice %arg2[%add3A_13, %dma_wait3A_29] : memref<2048x1024xf32, #tpu.memory_space<hbm>> -> memref<16x1024xf32, #tpu.memory_space<hbm>>
        %dma_wait3A_31 = arith.constant 0 : i32
        %dma_wait3A_32 = tpu.memref_slice %arg2[%add3A_13, %dma_wait3A_31] : memref<2048x1024xf32, #tpu.memory_space<hbm>> -> memref<16x1024xf32, #tpu.memory_space<hbm>>
        tpu.wait_dma2 semaphore(%run_scoped3A : memref<!tpu.dma_semaphore, #tpu.memory_space<semaphore_mem>>) src(%dma_wait3A_32 : memref<16x1024xf32, #tpu.memory_space<hbm>>) dst(%arg6 : memref<16x1024xf32, #tpu.memory_space<vmem>>)
        tpu.yield
      }) : () -> ()
      "tpu.region"() ({
        %run_scoped3A = tpu.sem_alloc : memref<!tpu.dma_semaphore, #tpu.memory_space<semaphore_mem>>
        %dma_start3A_25 = tpu.memref_slice %arg3[%add3A_13] : memref<2048xi32, #tpu.memory_space<hbm>> -> memref<16xi32, #tpu.memory_space<hbm>>
        %dma_start3A_26 = tpu.memref_slice %arg3[%add3A_13] : memref<2048xi32, #tpu.memory_space<hbm>> -> memref<16xi32, #tpu.memory_space<hbm>>
        tpu.enqueue_dma source(%dma_start3A_26 : memref<16xi32, #tpu.memory_space<hbm>>) target(%arg7 : memref<16xi32, #tpu.memory_space<vmem>>) target_semaphore(%run_scoped3A : memref<!tpu.dma_semaphore, #tpu.memory_space<semaphore_mem>>)
        %dma_wait3A_27 = tpu.memref_slice %arg3[%add3A_13] : memref<2048xi32, #tpu.memory_space<hbm>> -> memref<16xi32, #tpu.memory_space<hbm>>
        %dma_wait3A_28 = tpu.memref_slice %arg3[%add3A_13] : memref<2048xi32, #tpu.memory_space<hbm>> -> memref<16xi32, #tpu.memory_space<hbm>>
        tpu.wait_dma2 semaphore(%run_scoped3A : memref<!tpu.dma_semaphore, #tpu.memory_space<semaphore_mem>>) src(%dma_wait3A_28 : memref<16xi32, #tpu.memory_space<hbm>>) dst(%arg7 : memref<16xi32, #tpu.memory_space<vmem>>)
        tpu.yield
      }) : () -> ()
      "tpu.region"() ({
        %run_scoped3A = tpu.sem_alloc : memref<!tpu.dma_semaphore, #tpu.memory_space<semaphore_mem>>
        %dma_start3A_25 = tpu.memref_slice %arg4[%add3A_13] : memref<2048xi32, #tpu.memory_space<hbm>> -> memref<16xi32, #tpu.memory_space<hbm>>
        %dma_start3A_26 = tpu.memref_slice %arg4[%add3A_13] : memref<2048xi32, #tpu.memory_space<hbm>> -> memref<16xi32, #tpu.memory_space<hbm>>
        tpu.enqueue_dma source(%dma_start3A_26 : memref<16xi32, #tpu.memory_space<hbm>>) target(%arg8 : memref<16xi32, #tpu.memory_space<vmem>>) target_semaphore(%run_scoped3A : memref<!tpu.dma_semaphore, #tpu.memory_space<semaphore_mem>>)
        %dma_wait3A_27 = tpu.memref_slice %arg4[%add3A_13] : memref<2048xi32, #tpu.memory_space<hbm>> -> memref<16xi32, #tpu.memory_space<hbm>>
        %dma_wait3A_28 = tpu.memref_slice %arg4[%add3A_13] : memref<2048xi32, #tpu.memory_space<hbm>> -> memref<16xi32, #tpu.memory_space<hbm>>
        tpu.wait_dma2 semaphore(%run_scoped3A : memref<!tpu.dma_semaphore, #tpu.memory_space<semaphore_mem>>) src(%dma_wait3A_28 : memref<16xi32, #tpu.memory_space<hbm>>) dst(%arg8 : memref<16xi32, #tpu.memory_space<vmem>>)
        tpu.yield
      }) : () -> ()
      %dma_start3A = arith.constant 0 : i32
      %dma_start3A_14 = arith.constant 0 : i32
      %dma_start3A_15 = tpu.memref_slice %arg5[%dma_start3A, %dma_start3A_14] : memref<5128x1024xf32, #tpu.memory_space<hbm>> -> memref<5128x1024xf32, #tpu.memory_space<hbm>>
      tpu.enqueue_indirect_dma source(%arg6 : memref<16x1024xf32, #tpu.memory_space<vmem>>) target(%dma_start3A_15 : memref<5128x1024xf32, #tpu.memory_space<hbm>>) offsets(%arg7 : memref<16xi32, #tpu.memory_space<vmem>>) semaphore(%arg9 : memref<!tpu.dma_semaphore, #tpu.memory_space<semaphore_mem>>)
      %dma_wait3A = arith.constant 0 : i32
      %dma_wait3A_16 = arith.constant 0 : i32
      %dma_wait3A_17 = tpu.memref_slice %arg5[%dma_wait3A, %dma_wait3A_16] : memref<5128x1024xf32, #tpu.memory_space<hbm>> -> memref<5128x1024xf32, #tpu.memory_space<hbm>>
      tpu.wait_indirect_dma semaphore(%arg9 : memref<!tpu.dma_semaphore, #tpu.memory_space<semaphore_mem>>) src(%arg6 : memref<16x1024xf32, #tpu.memory_space<vmem>>) dst(%dma_wait3A_17 : memref<5128x1024xf32, #tpu.memory_space<hbm>>)
      %dma_start3A_18 = arith.constant 0 : i32
      %dma_start3A_19 = arith.constant 0 : i32
      %dma_start3A_20 = tpu.memref_slice %arg5[%dma_start3A_18, %dma_start3A_19] : memref<5128x1024xf32, #tpu.memory_space<hbm>> -> memref<5128x1024xf32, #tpu.memory_space<hbm>>
      tpu.enqueue_indirect_dma source(%arg6 : memref<16x1024xf32, #tpu.memory_space<vmem>>) target(%dma_start3A_20 : memref<5128x1024xf32, #tpu.memory_space<hbm>>) offsets(%arg8 : memref<16xi32, #tpu.memory_space<vmem>>) semaphore(%arg9 : memref<!tpu.dma_semaphore, #tpu.memory_space<semaphore_mem>>)
      %dma_wait3A_21 = arith.constant 0 : i32
      %dma_wait3A_22 = arith.constant 0 : i32
      %dma_wait3A_23 = tpu.memref_slice %arg5[%dma_wait3A_21, %dma_wait3A_22] : memref<5128x1024xf32, #tpu.memory_space<hbm>> -> memref<5128x1024xf32, #tpu.memory_space<hbm>>
      tpu.wait_indirect_dma semaphore(%arg9 : memref<!tpu.dma_semaphore, #tpu.memory_space<semaphore_mem>>) src(%arg6 : memref<16x1024xf32, #tpu.memory_space<vmem>>) dst(%dma_wait3A_23 : memref<5128x1024xf32, #tpu.memory_space<hbm>>)
      %scan3A_24 = arith.constant 0 : i32
      scf.yield %scan3A_24 : i32
    }
    %scan3A_8 = arith.constant 4 : i32
    return
  }
}

module attributes {stable_mosaic.version = 14 : i64} {
  func.func @_k1_body(%arg0: i32, %arg1: memref<256x1024xf32, #tpu.memory_space<vmem>>, %arg2: memref<1024xf32, #tpu.memory_space<vmem>>, %arg3: memref<1024xf32, #tpu.memory_space<vmem>>, %arg4: memref<1024x3072xbf16, #tpu.memory_space<vmem>>, %arg5: memref<256x3072xbf16, #tpu.memory_space<vmem>>) attributes {dimension_semantics = [#tpu.dimension_semantics<arbitrary>], iteration_bounds = array<i64: 8>, scalar_prefetch = 0 : i64, scratch_operands = 0 : i64, tpu.core_type = #tpu.core_type<tc>, window_params = [{transform_indices = @transform_0, window_bounds = array<i64: 256, 1024>}, {pipeline_mode = #tpu.pipeline_mode<synchronous>, transform_indices = @transform_1, window_bounds = array<i64: 1024>}, {pipeline_mode = #tpu.pipeline_mode<synchronous>, transform_indices = @transform_2, window_bounds = array<i64: 1024>}, {pipeline_mode = #tpu.pipeline_mode<synchronous>, transform_indices = @transform_3, window_bounds = array<i64: 1024, 3072>}, {transform_indices = @transform_4, window_bounds = array<i64: 256, 3072>}]} {
    %get3A = arith.constant 0 : index
    %get3A_0 = arith.constant 0 : index
    %get3A_1 = vector.load %arg1[%get3A, %get3A_0] : memref<256x1024xf32, #tpu.memory_space<vmem>>, vector<256x1024xf32>
    %reduce_sum3A = arith.constant dense<0.000000e+00> : vector<256xf32>
    %reduce_sum3A_2 = vector.multi_reduction <add>, %get3A_1, %reduce_sum3A [1] : vector<256x1024xf32> to vector<256xf32>
    %broadcast_in_dim3A = vector.shape_cast %reduce_sum3A_2 : vector<256xf32> to vector<256x1xf32>
    %div3A = arith.constant 1.024000e+03 : f32
    %div3A_3 = vector.broadcast %div3A : f32 to vector<256x1xf32>
    %div3A_4 = arith.divf %broadcast_in_dim3A, %div3A_3 : vector<256x1xf32>
    %sub3A = vector.broadcast %div3A_4 : vector<256x1xf32> to vector<256x1024xf32>
    %sub3A_5 = arith.subf %get3A_1, %sub3A : vector<256x1024xf32>
    %integer_pow3A = arith.mulf %sub3A_5, %sub3A_5 : vector<256x1024xf32>
    %reduce_sum3A_6 = arith.constant dense<0.000000e+00> : vector<256xf32>
    %reduce_sum3A_7 = vector.multi_reduction <add>, %integer_pow3A, %reduce_sum3A_6 [1] : vector<256x1024xf32> to vector<256xf32>
    %broadcast_in_dim3A_8 = vector.shape_cast %reduce_sum3A_7 : vector<256xf32> to vector<256x1xf32>
    %div3A_9 = arith.constant 1.024000e+03 : f32
    %div3A_10 = vector.broadcast %div3A_9 : f32 to vector<256x1xf32>
    %div3A_11 = arith.divf %broadcast_in_dim3A_8, %div3A_10 : vector<256x1xf32>
    %sub3A_12 = vector.broadcast %div3A_4 : vector<256x1xf32> to vector<256x1024xf32>
    %sub3A_13 = arith.subf %get3A_1, %sub3A_12 : vector<256x1024xf32>
    %add3A = arith.constant 9.99999974E-6 : f32
    %add3A_14 = vector.broadcast %add3A : f32 to vector<256x1xf32>
    %add3A_15 = arith.addf %div3A_11, %add3A_14 : vector<256x1xf32>
    %rsqrt3A = math.rsqrt %add3A_15 : vector<256x1xf32>
    %mul3A = vector.broadcast %rsqrt3A : vector<256x1xf32> to vector<256x1024xf32>
    %mul3A_16 = arith.mulf %sub3A_13, %mul3A : vector<256x1024xf32>
    %get3A_17 = arith.constant 0 : index
    %get3A_18 = vector.load %arg2[%get3A_17] : memref<1024xf32, #tpu.memory_space<vmem>>, vector<1024xf32>
    %broadcast_in_dim3A_19 = vector.shape_cast %get3A_18 : vector<1024xf32> to vector<1x1024xf32>
    %mul3A_20 = vector.broadcast %broadcast_in_dim3A_19 : vector<1x1024xf32> to vector<256x1024xf32>
    %mul3A_21 = arith.mulf %mul3A_16, %mul3A_20 : vector<256x1024xf32>
    %get3A_22 = arith.constant 0 : index
    %get3A_23 = vector.load %arg3[%get3A_22] : memref<1024xf32, #tpu.memory_space<vmem>>, vector<1024xf32>
    %broadcast_in_dim3A_24 = vector.shape_cast %get3A_23 : vector<1024xf32> to vector<1x1024xf32>
    %add3A_25 = vector.broadcast %broadcast_in_dim3A_24 : vector<1x1024xf32> to vector<256x1024xf32>
    %add3A_26 = arith.addf %mul3A_21, %add3A_25 : vector<256x1024xf32>
    %convert_element_type3A = arith.truncf %add3A_26 : vector<256x1024xf32> to vector<256x1024xbf16>
    %get3A_27 = arith.constant 0 : index
    %get3A_28 = arith.constant 0 : index
    %get3A_29 = vector.load %arg4[%get3A_27, %get3A_28] : memref<1024x3072xbf16, #tpu.memory_space<vmem>>, vector<1024x3072xbf16>
    %dot_general3A = arith.constant dense<0.000000e+00> : vector<256x3072xf32>
    %dot_general3A_30 = tpu.matmul %convert_element_type3A, %get3A_29, %dot_general3A {dimension_numbers = #tpu.dot_dimension_numbers<[1], [0], [0], [1], [0, 0, 1, 1], [], []>, transpose_lhs_hint = false} : vector<256x1024xbf16>, vector<1024x3072xbf16>, vector<256x3072xf32> -> vector<256x3072xf32>
    %convert_element_type3A_31 = arith.truncf %dot_general3A_30 : vector<256x3072xf32> to vector<256x3072xbf16>
    %swap3A = arith.constant 0 : index
    %swap3A_32 = arith.constant 0 : index
    %swap3A_33 = vector.load %arg5[%swap3A, %swap3A_32] : memref<256x3072xbf16, #tpu.memory_space<vmem>>, vector<256x3072xbf16>
    tpu.vector_store %arg5[%swap3A, %swap3A_32], %convert_element_type3A_31 {strides = array<i32>} : memref<256x3072xbf16, #tpu.memory_space<vmem>>, vector<256x3072xbf16>,
    return
  }
  func.func @transform_0(%arg0: i32) -> (i32, i32) {
    %c0_i32 = arith.constant 0 : i32
    %c0_i32_0 = arith.constant 0 : i32
    return %arg0, %c0_i32 : i32, i32
  }
  func.func @transform_1(%arg0: i32) -> i32 {
    %c0_i32 = arith.constant 0 : i32
    %c0_i32_0 = arith.constant 0 : i32
    return %c0_i32 : i32
  }
  func.func @transform_2(%arg0: i32) -> i32 {
    %c0_i32 = arith.constant 0 : i32
    %c0_i32_0 = arith.constant 0 : i32
    return %c0_i32 : i32
  }
  func.func @transform_3(%arg0: i32) -> (i32, i32) {
    %c0_i32 = arith.constant 0 : i32
    %c0_i32_0 = arith.constant 0 : i32
    %c0_i32_1 = arith.constant 0 : i32
    return %c0_i32, %c0_i32_0 : i32, i32
  }
  func.func @transform_4(%arg0: i32) -> (i32, i32) {
    %c0_i32 = arith.constant 0 : i32
    %c0_i32_0 = arith.constant 0 : i32
    return %arg0, %c0_i32 : i32, i32
  }
}

module attributes {stable_mosaic.version = 14 : i64} {
  func.func @_k2_body(%arg0: i32, %arg1: i32, %arg2: memref<1x256x64xbf16, #tpu.memory_space<vmem>>, %arg3: memref<1x2048x64xbf16, #tpu.memory_space<vmem>>, %arg4: memref<1x2048x64xbf16, #tpu.memory_space<vmem>>, %arg5: memref<1x256x64xbf16, #tpu.memory_space<vmem>>) attributes {dimension_semantics = [#tpu.dimension_semantics<arbitrary>, #tpu.dimension_semantics<arbitrary>], iteration_bounds = array<i64: 16, 8>, scalar_prefetch = 0 : i64, scratch_operands = 0 : i64, tpu.core_type = #tpu.core_type<tc>, window_params = [{transform_indices = @transform_0, window_bounds = array<i64: 1, 256, 64>}, {transform_indices = @transform_1, window_bounds = array<i64: 1, 2048, 64>}, {transform_indices = @transform_2, window_bounds = array<i64: 1, 2048, 64>}, {transform_indices = @transform_3, window_bounds = array<i64: 1, 256, 64>}]} {
    %get3A = arith.constant 0 : index
    %get3A_0 = arith.constant 0 : index
    %get3A_1 = arith.constant 0 : index
    %get3A_2 = vector.load %arg2[%get3A, %get3A_0, %get3A_1] : memref<1x256x64xbf16, #tpu.memory_space<vmem>>, vector<1x256x64xbf16>
    %get3A_3 = vector.shape_cast %get3A_2 : vector<1x256x64xbf16> to vector<256x64xbf16>
    %get3A_4 = arith.constant 0 : index
    %get3A_5 = arith.constant 0 : index
    %get3A_6 = arith.constant 0 : index
    %get3A_7 = vector.load %arg3[%get3A_4, %get3A_5, %get3A_6] : memref<1x2048x64xbf16, #tpu.memory_space<vmem>>, vector<1x2048x64xbf16>
    %get3A_8 = vector.shape_cast %get3A_7 : vector<1x2048x64xbf16> to vector<2048x64xbf16>
    %get3A_9 = arith.constant 0 : index
    %get3A_10 = arith.constant 0 : index
    %get3A_11 = arith.constant 0 : index
    %get3A_12 = vector.load %arg4[%get3A_9, %get3A_10, %get3A_11] : memref<1x2048x64xbf16, #tpu.memory_space<vmem>>, vector<1x2048x64xbf16>
    %get3A_13 = vector.shape_cast %get3A_12 : vector<1x2048x64xbf16> to vector<2048x64xbf16>
    %dot_general3A = arith.constant dense<0.000000e+00> : vector<256x2048xf32>
    %dot_general3A_14 = tpu.matmul %get3A_3, %get3A_8, %dot_general3A {dimension_numbers = #tpu.dot_dimension_numbers<[1], [1], [0], [0], [0, 0, 1, 0], [], []>, transpose_lhs_hint = false} : vector<256x64xbf16>, vector<2048x64xbf16>, vector<256x2048xf32> -> vector<256x2048xf32>
    %mul3A = arith.constant 1.250000e-01 : f32
    %mul3A_15 = vector.broadcast %mul3A : f32 to vector<256x2048xf32>
    %mul3A_16 = arith.mulf %dot_general3A_14, %mul3A_15 : vector<256x2048xf32>
    %iota3A = tpu.iota {dimensions = array<i32: 0>} : vector<256x2048xi32>
    %mul3A_17 = arith.constant 256 : i32
    %mul3A_18 = arith.muli %arg1, %mul3A_17 : i32
    %add3A = vector.broadcast %mul3A_18 : i32 to vector<256x2048xi32>
    %add3A_19 = arith.addi %iota3A, %add3A : vector<256x2048xi32>
    %iota3A_20 = tpu.iota {dimensions = array<i32: 1>} : vector<256x2048xi32>
    %le3A = arith.cmpi sle, %iota3A_20, %add3A_19 : vector<256x2048xi32>
    %jit3A = arith.constant -1.000000e+09 : f32
    %broadcast_in_dim3A = vector.broadcast %jit3A : f32 to vector<256x2048xf32>
    %select_n3A = arith.select %le3A, %mul3A_16, %broadcast_in_dim3A : vector<256x2048xi1>, vector<256x2048xf32>
    %slice3A = vector.extract_strided_slice %select_n3A {offsets = [0, 0], sizes = [256, 1024], strides = [1, 1]} : vector<256x2048xf32> to vector<256x1024xf32>
    %slice3A_21 = vector.extract_strided_slice %select_n3A {offsets = [0, 1024], sizes = [256, 1024], strides = [1, 1]} : vector<256x2048xf32> to vector<256x1024xf32>
    %reduce_max3A = arith.constant dense<0xFF800000> : vector<256xf32>
    %reduce_max3A_22 = vector.multi_reduction <maximumf>, %slice3A, %reduce_max3A [1] : vector<256x1024xf32> to vector<256xf32>
    %broadcast_in_dim3A_23 = vector.shape_cast %reduce_max3A_22 : vector<256xf32> to vector<256x1xf32>
    %reduce_max3A_24 = arith.constant dense<0xFF800000> : vector<256xf32>
    %reduce_max3A_25 = vector.multi_reduction <maximumf>, %slice3A_21, %reduce_max3A_24 [1] : vector<256x1024xf32> to vector<256xf32>
    %broadcast_in_dim3A_26 = vector.shape_cast %reduce_max3A_25 : vector<256xf32> to vector<256x1xf32>
    %max3A = arith.maximumf %broadcast_in_dim3A_23, %broadcast_in_dim3A_26 : vector<256x1xf32>
    %sub3A = arith.subf %broadcast_in_dim3A_23, %max3A : vector<256x1xf32>
    %exp3A = math.exp %sub3A : vector<256x1xf32>
    %sub3A_27 = vector.broadcast %broadcast_in_dim3A_23 : vector<256x1xf32> to vector<256x1024xf32>
    %sub3A_28 = arith.subf %slice3A, %sub3A_27 : vector<256x1024xf32>
    %exp3A_29 = math.exp %sub3A_28 : vector<256x1024xf32>
    %sub3A_30 = vector.broadcast %max3A : vector<256x1xf32> to vector<256x1024xf32>
    %sub3A_31 = arith.subf %slice3A_21, %sub3A_30 : vector<256x1024xf32>
    %exp3A_32 = math.exp %sub3A_31 : vector<256x1024xf32>
    %convert_element_type3A = arith.truncf %exp3A_29 : vector<256x1024xf32> to vector<256x1024xbf16>
    %slice3A_33 = vector.extract_strided_slice %get3A_13 {offsets = [0, 0], sizes = [1024, 64], strides = [1, 1]} : vector<2048x64xbf16> to vector<1024x64xbf16>
    %dot_general3A_34 = arith.constant dense<0.000000e+00> : vector<256x64xf32>
    %dot_general3A_35 = tpu.matmul %convert_element_type3A, %slice3A_33, %dot_general3A_34 {dimension_numbers = #tpu.dot_dimension_numbers<[1], [0], [0], [1], [0, 0, 1, 1], [], []>, transpose_lhs_hint = false} : vector<256x1024xbf16>, vector<1024x64xbf16>, vector<256x64xf32> -> vector<256x64xf32>
    %mul3A_36 = vector.broadcast %exp3A : vector<256x1xf32> to vector<256x64xf32>
    %mul3A_37 = arith.mulf %dot_general3A_35, %mul3A_36 : vector<256x64xf32>
    %convert_element_type3A_38 = arith.truncf %exp3A_32 : vector<256x1024xf32> to vector<256x1024xbf16>
    %slice3A_39 = vector.extract_strided_slice %get3A_13 {offsets = [1024, 0], sizes = [1024, 64], strides = [1, 1]} : vector<2048x64xbf16> to vector<1024x64xbf16>
    %dot_general3A_40 = arith.constant dense<0.000000e+00> : vector<256x64xf32>
    %dot_general3A_41 = tpu.matmul %convert_element_type3A_38, %slice3A_39, %dot_general3A_40 {dimension_numbers = #tpu.dot_dimension_numbers<[1], [0], [0], [1], [0, 0, 1, 1], [], []>, transpose_lhs_hint = false} : vector<256x1024xbf16>, vector<1024x64xbf16>, vector<256x64xf32> -> vector<256x64xf32>
    %add3A_42 = arith.addf %mul3A_37, %dot_general3A_41 : vector<256x64xf32>
    %reduce_sum3A = arith.constant dense<0.000000e+00> : vector<256xf32>
    %reduce_sum3A_43 = vector.multi_reduction <add>, %exp3A_29, %reduce_sum3A [1] : vector<256x1024xf32> to vector<256xf32>
    %broadcast_in_dim3A_44 = vector.shape_cast %reduce_sum3A_43 : vector<256xf32> to vector<256x1xf32>
    %mul3A_45 = arith.mulf %broadcast_in_dim3A_44, %exp3A : vector<256x1xf32>
    %reduce_sum3A_46 = arith.constant dense<0.000000e+00> : vector<256xf32>
    %reduce_sum3A_47 = vector.multi_reduction <add>, %exp3A_32, %reduce_sum3A_46 [1] : vector<256x1024xf32> to vector<256xf32>
    %broadcast_in_dim3A_48 = vector.shape_cast %reduce_sum3A_47 : vector<256xf32> to vector<256x1xf32>
    %add3A_49 = arith.addf %mul3A_45, %broadcast_in_dim3A_48 : vector<256x1xf32>
    %div3A = vector.broadcast %add3A_49 : vector<256x1xf32> to vector<256x64xf32>
    %div3A_50 = arith.divf %add3A_42, %div3A : vector<256x64xf32>
    %convert_element_type3A_51 = arith.truncf %div3A_50 : vector<256x64xf32> to vector<256x64xbf16>
    %swap3A = arith.constant 0 : index
    %swap3A_52 = arith.constant 0 : index
    %swap3A_53 = arith.constant 0 : index
    %swap3A_54 = vector.load %arg5[%swap3A, %swap3A_52, %swap3A_53] : memref<1x256x64xbf16, #tpu.memory_space<vmem>>, vector<1x256x64xbf16>
    %swap3A_55 = vector.shape_cast %swap3A_54 : vector<1x256x64xbf16> to vector<256x64xbf16>
    %swap3A_56 = vector.shape_cast %convert_element_type3A_51 : vector<256x64xbf16> to vector<1x256x64xbf16>
    tpu.vector_store %arg5[%swap3A, %swap3A_52, %swap3A_53], %swap3A_56 {strides = array<i32>} : memref<1x256x64xbf16, #tpu.memory_space<vmem>>, vector<1x256x64xbf16>,
    return
  }
  func.func @transform_0(%arg0: i32, %arg1: i32) -> (i32, i32, i32) {
    %c0_i32 = arith.constant 0 : i32
    %c0_i32_0 = arith.constant 0 : i32
    return %arg0, %arg1, %c0_i32 : i32, i32, i32
  }
  func.func @transform_1(%arg0: i32, %arg1: i32) -> (i32, i32, i32) {
    %c0_i32 = arith.constant 0 : i32
    %c0_i32_0 = arith.constant 0 : i32
    %c0_i32_1 = arith.constant 0 : i32
    return %arg0, %c0_i32, %c0_i32_0 : i32, i32, i32
  }
  func.func @transform_2(%arg0: i32, %arg1: i32) -> (i32, i32, i32) {
    %c0_i32 = arith.constant 0 : i32
    %c0_i32_0 = arith.constant 0 : i32
    %c0_i32_1 = arith.constant 0 : i32
    return %arg0, %c0_i32, %c0_i32_0 : i32, i32, i32
  }
  func.func @transform_3(%arg0: i32, %arg1: i32) -> (i32, i32, i32) {
    %c0_i32 = arith.constant 0 : i32
    %c0_i32_0 = arith.constant 0 : i32
    return %arg0, %arg1, %c0_i32 : i32, i32, i32
  }
}

module attributes {stable_mosaic.version = 14 : i64} {
  func.func @_k3_body(%arg0: i32, %arg1: memref<256x1024xbf16, #tpu.memory_space<vmem>>, %arg2: memref<256x1024xf32, #tpu.memory_space<vmem>>, %arg3: memref<1024x1024xbf16, #tpu.memory_space<vmem>>, %arg4: memref<1024xf32, #tpu.memory_space<vmem>>, %arg5: memref<1024xf32, #tpu.memory_space<vmem>>, %arg6: memref<1024x128xbf16, #tpu.memory_space<vmem>>, %arg7: memref<256x1024xf32, #tpu.memory_space<vmem>>, %arg8: memref<256x1024xf32, #tpu.memory_space<vmem>>, %arg9: memref<256x128xi32, #tpu.memory_space<vmem>>, %arg10: memref<256x128xf32, #tpu.memory_space<vmem>>) attributes {dimension_semantics = [#tpu.dimension_semantics<arbitrary>], iteration_bounds = array<i64: 8>, scalar_prefetch = 0 : i64, scratch_operands = 0 : i64, tpu.core_type = #tpu.core_type<tc>, window_params = [{transform_indices = @transform_0, window_bounds = array<i64: 256, 1024>}, {transform_indices = @transform_1, window_bounds = array<i64: 256, 1024>}, {pipeline_mode = #tpu.pipeline_mode<synchronous>, transform_indices = @transform_2, window_bounds = array<i64: 1024, 1024>}, {pipeline_mode = #tpu.pipeline_mode<synchronous>, transform_indices = @transform_3, window_bounds = array<i64: 1024>}, {pipeline_mode = #tpu.pipeline_mode<synchronous>, transform_indices = @transform_4, window_bounds = array<i64: 1024>}, {pipeline_mode = #tpu.pipeline_mode<synchronous>, transform_indices = @transform_5, window_bounds = array<i64: 1024, 128>}, {transform_indices = @transform_6, window_bounds = array<i64: 256, 1024>}, {transform_indices = @transform_7, window_bounds = array<i64: 256, 1024>}, {transform_indices = @transform_8, window_bounds = array<i64: 256, 128>}, {transform_indices = @transform_9, window_bounds = array<i64: 256, 128>}]} {
    %get3A = arith.constant 0 : index
    %get3A_0 = arith.constant 0 : index
    %get3A_1 = vector.load %arg1[%get3A, %get3A_0] : memref<256x1024xbf16, #tpu.memory_space<vmem>>, vector<256x1024xbf16>
    %get3A_2 = arith.constant 0 : index
    %get3A_3 = arith.constant 0 : index
    %get3A_4 = vector.load %arg3[%get3A_2, %get3A_3] : memref<1024x1024xbf16, #tpu.memory_space<vmem>>, vector<1024x1024xbf16>
    %dot_general3A = arith.constant dense<0.000000e+00> : vector<256x1024xf32>
    %dot_general3A_5 = tpu.matmul %get3A_1, %get3A_4, %dot_general3A {dimension_numbers = #tpu.dot_dimension_numbers<[1], [0], [0], [1], [0, 0, 1, 1], [], []>, transpose_lhs_hint = false} : vector<256x1024xbf16>, vector<1024x1024xbf16>, vector<256x1024xf32> -> vector<256x1024xf32>
    %get3A_6 = arith.constant 0 : index
    %get3A_7 = arith.constant 0 : index
    %get3A_8 = vector.load %arg2[%get3A_6, %get3A_7] : memref<256x1024xf32, #tpu.memory_space<vmem>>, vector<256x1024xf32>
    %add3A = arith.addf %get3A_8, %dot_general3A_5 : vector<256x1024xf32>
    %swap3A = arith.constant 0 : index
    %swap3A_9 = arith.constant 0 : index
    %swap3A_10 = vector.load %arg7[%swap3A, %swap3A_9] : memref<256x1024xf32, #tpu.memory_space<vmem>>, vector<256x1024xf32>
    tpu.vector_store %arg7[%swap3A, %swap3A_9], %add3A {strides = array<i32>} : memref<256x1024xf32, #tpu.memory_space<vmem>>, vector<256x1024xf32>,
    %reduce_sum3A = arith.constant dense<0.000000e+00> : vector<256xf32>
    %reduce_sum3A_11 = vector.multi_reduction <add>, %add3A, %reduce_sum3A [1] : vector<256x1024xf32> to vector<256xf32>
    %broadcast_in_dim3A = vector.shape_cast %reduce_sum3A_11 : vector<256xf32> to vector<256x1xf32>
    %div3A = arith.constant 1.024000e+03 : f32
    %div3A_12 = vector.broadcast %div3A : f32 to vector<256x1xf32>
    %div3A_13 = arith.divf %broadcast_in_dim3A, %div3A_12 : vector<256x1xf32>
    %sub3A = vector.broadcast %div3A_13 : vector<256x1xf32> to vector<256x1024xf32>
    %sub3A_14 = arith.subf %add3A, %sub3A : vector<256x1024xf32>
    %integer_pow3A = arith.mulf %sub3A_14, %sub3A_14 : vector<256x1024xf32>
    %reduce_sum3A_15 = arith.constant dense<0.000000e+00> : vector<256xf32>
    %reduce_sum3A_16 = vector.multi_reduction <add>, %integer_pow3A, %reduce_sum3A_15 [1] : vector<256x1024xf32> to vector<256xf32>
    %broadcast_in_dim3A_17 = vector.shape_cast %reduce_sum3A_16 : vector<256xf32> to vector<256x1xf32>
    %div3A_18 = arith.constant 1.024000e+03 : f32
    %div3A_19 = vector.broadcast %div3A_18 : f32 to vector<256x1xf32>
    %div3A_20 = arith.divf %broadcast_in_dim3A_17, %div3A_19 : vector<256x1xf32>
    %sub3A_21 = vector.broadcast %div3A_13 : vector<256x1xf32> to vector<256x1024xf32>
    %sub3A_22 = arith.subf %add3A, %sub3A_21 : vector<256x1024xf32>
    %add3A_23 = arith.constant 9.99999974E-6 : f32
    %add3A_24 = vector.broadcast %add3A_23 : f32 to vector<256x1xf32>
    %add3A_25 = arith.addf %div3A_20, %add3A_24 : vector<256x1xf32>
    %rsqrt3A = math.rsqrt %add3A_25 : vector<256x1xf32>
    %mul3A = vector.broadcast %rsqrt3A : vector<256x1xf32> to vector<256x1024xf32>
    %mul3A_26 = arith.mulf %sub3A_22, %mul3A : vector<256x1024xf32>
    %get3A_27 = arith.constant 0 : index
    %get3A_28 = vector.load %arg4[%get3A_27] : memref<1024xf32, #tpu.memory_space<vmem>>, vector<1024xf32>
    %broadcast_in_dim3A_29 = vector.shape_cast %get3A_28 : vector<1024xf32> to vector<1x1024xf32>
    %mul3A_30 = vector.broadcast %broadcast_in_dim3A_29 : vector<1x1024xf32> to vector<256x1024xf32>
    %mul3A_31 = arith.mulf %mul3A_26, %mul3A_30 : vector<256x1024xf32>
    %get3A_32 = arith.constant 0 : index
    %get3A_33 = vector.load %arg5[%get3A_32] : memref<1024xf32, #tpu.memory_space<vmem>>, vector<1024xf32>
    %broadcast_in_dim3A_34 = vector.shape_cast %get3A_33 : vector<1024xf32> to vector<1x1024xf32>
    %add3A_35 = vector.broadcast %broadcast_in_dim3A_34 : vector<1x1024xf32> to vector<256x1024xf32>
    %add3A_36 = arith.addf %mul3A_31, %add3A_35 : vector<256x1024xf32>
    %swap3A_37 = arith.constant 0 : index
    %swap3A_38 = arith.constant 0 : index
    %swap3A_39 = vector.load %arg8[%swap3A_37, %swap3A_38] : memref<256x1024xf32, #tpu.memory_space<vmem>>, vector<256x1024xf32>
    tpu.vector_store %arg8[%swap3A_37, %swap3A_38], %add3A_36 {strides = array<i32>} : memref<256x1024xf32, #tpu.memory_space<vmem>>, vector<256x1024xf32>,
    %convert_element_type3A = arith.truncf %add3A_36 : vector<256x1024xf32> to vector<256x1024xbf16>
    %get3A_40 = arith.constant 0 : index
    %get3A_41 = arith.constant 0 : index
    %get3A_42 = vector.load %arg6[%get3A_40, %get3A_41] : memref<1024x128xbf16, #tpu.memory_space<vmem>>, vector<1024x128xbf16>
    %dot_general3A_43 = arith.constant dense<0.000000e+00> : vector<256x128xf32>
    %dot_general3A_44 = tpu.matmul %convert_element_type3A, %get3A_42, %dot_general3A_43 {dimension_numbers = #tpu.dot_dimension_numbers<[1], [0], [0], [1], [0, 0, 1, 1], [], []>, transpose_lhs_hint = false} : vector<256x1024xbf16>, vector<1024x128xbf16>, vector<256x128xf32> -> vector<256x128xf32>
    %iota3A = tpu.iota {dimensions = array<i32: 1>} : vector<256x128xi32>
    %lt3A = arith.constant 8 : i32
    %lt3A_45 = vector.broadcast %lt3A : i32 to vector<256x128xi32>
    %lt3A_46 = arith.cmpi slt, %iota3A, %lt3A_45 : vector<256x128xi32>
    %jit3A = arith.constant -1.000000e+30 : f32
    %broadcast_in_dim3A_47 = vector.broadcast %jit3A : f32 to vector<256x128xf32>
    %select_n3A = arith.select %lt3A_46, %dot_general3A_44, %broadcast_in_dim3A_47 : vector<256x128xi1>, vector<256x128xf32>
    %reduce_max3A = arith.constant dense<0xFF800000> : vector<256xf32>
    %reduce_max3A_48 = vector.multi_reduction <maximumf>, %select_n3A, %reduce_max3A [1] : vector<256x128xf32> to vector<256xf32>
    %broadcast_in_dim3A_49 = vector.shape_cast %reduce_max3A_48 : vector<256xf32> to vector<256x1xf32>
    %sub3A_50 = vector.broadcast %broadcast_in_dim3A_49 : vector<256x1xf32> to vector<256x128xf32>
    %sub3A_51 = arith.subf %select_n3A, %sub3A_50 : vector<256x128xf32>
    %exp3A = math.exp %sub3A_51 : vector<256x128xf32>
    %jit3A_52 = arith.constant 0.000000e+00 : f32
    %broadcast_in_dim3A_53 = vector.broadcast %jit3A_52 : f32 to vector<256x128xf32>
    %select_n3A_54 = arith.select %lt3A_46, %exp3A, %broadcast_in_dim3A_53 : vector<256x128xi1>, vector<256x128xf32>
    %reduce_sum3A_55 = arith.constant dense<0.000000e+00> : vector<256xf32>
    %reduce_sum3A_56 = vector.multi_reduction <add>, %select_n3A_54, %reduce_sum3A_55 [1] : vector<256x128xf32> to vector<256xf32>
    %broadcast_in_dim3A_57 = vector.shape_cast %reduce_sum3A_56 : vector<256xf32> to vector<256x1xf32>
    %div3A_58 = vector.broadcast %broadcast_in_dim3A_57 : vector<256x1xf32> to vector<256x128xf32>
    %div3A_59 = arith.divf %select_n3A_54, %div3A_58 : vector<256x128xf32>
    %reduce_max3A_60 = arith.constant dense<0xFF800000> : vector<256xf32>
    %reduce_max3A_61 = vector.multi_reduction <maximumf>, %div3A_59, %reduce_max3A_60 [1] : vector<256x128xf32> to vector<256xf32>
    %broadcast_in_dim3A_62 = vector.shape_cast %reduce_max3A_61 : vector<256xf32> to vector<256x1xf32>
    %eq3A = vector.broadcast %broadcast_in_dim3A_62 : vector<256x1xf32> to vector<256x128xf32>
    %eq3A_63 = arith.cmpf oeq, %div3A_59, %eq3A : vector<256x128xf32>
    %jit3A_64 = arith.constant 1048576 : i32
    %broadcast_in_dim3A_65 = vector.broadcast %jit3A_64 : i32 to vector<256x128xi32>
    %select_n3A_66 = arith.select %eq3A_63, %iota3A, %broadcast_in_dim3A_65 : vector<256x128xi1>, vector<256x128xi32>
    %reduce_min3A = arith.constant dense<2147483647> : vector<256xi32>
    %reduce_min3A_67 = vector.multi_reduction <minsi>, %select_n3A_66, %reduce_min3A [1] : vector<256x128xi32> to vector<256xi32>
    %broadcast_in_dim3A_68 = vector.shape_cast %reduce_min3A_67 : vector<256xi32> to vector<256x1xi32>
    %eq3A_69 = vector.broadcast %broadcast_in_dim3A_68 : vector<256x1xi32> to vector<256x128xi32>
    %eq3A_70 = arith.cmpi eq, %iota3A, %eq3A_69 : vector<256x128xi32>
    %jit3A_71 = arith.constant -1.000000e+00 : f32
    %broadcast_in_dim3A_72 = vector.broadcast %jit3A_71 : f32 to vector<256x128xf32>
    %select_n3A_73 = arith.select %eq3A_70, %broadcast_in_dim3A_72, %div3A_59 : vector<256x128xi1>, vector<256x128xf32>
    %reduce_max3A_74 = arith.constant dense<0xFF800000> : vector<256xf32>
    %reduce_max3A_75 = vector.multi_reduction <maximumf>, %select_n3A_73, %reduce_max3A_74 [1] : vector<256x128xf32> to vector<256xf32>
    %broadcast_in_dim3A_76 = vector.shape_cast %reduce_max3A_75 : vector<256xf32> to vector<256x1xf32>
    %eq3A_77 = vector.broadcast %broadcast_in_dim3A_76 : vector<256x1xf32> to vector<256x128xf32>
    %eq3A_78 = arith.cmpf oeq, %select_n3A_73, %eq3A_77 : vector<256x128xf32>
    %jit3A_79 = arith.constant 1048576 : i32
    %broadcast_in_dim3A_80 = vector.broadcast %jit3A_79 : i32 to vector<256x128xi32>
    %select_n3A_81 = arith.select %eq3A_78, %iota3A, %broadcast_in_dim3A_80 : vector<256x128xi1>, vector<256x128xi32>
    %reduce_min3A_82 = arith.constant dense<2147483647> : vector<256xi32>
    %reduce_min3A_83 = vector.multi_reduction <minsi>, %select_n3A_81, %reduce_min3A_82 [1] : vector<256x128xi32> to vector<256xi32>
    %broadcast_in_dim3A_84 = vector.shape_cast %reduce_min3A_83 : vector<256xi32> to vector<256x1xi32>
    %add3A_85 = arith.addf %broadcast_in_dim3A_62, %broadcast_in_dim3A_76 : vector<256x1xf32>
    %div3A_86 = arith.divf %broadcast_in_dim3A_62, %add3A_85 : vector<256x1xf32>
    %div3A_87 = arith.divf %broadcast_in_dim3A_76, %add3A_85 : vector<256x1xf32>
    %eq3A_88 = arith.constant 0 : i32
    %eq3A_89 = vector.broadcast %eq3A_88 : i32 to vector<256x128xi32>
    %eq3A_90 = arith.cmpi eq, %iota3A, %eq3A_89 : vector<256x128xi32>
    %eq3A_91 = arith.constant 1 : i32
    %eq3A_92 = vector.broadcast %eq3A_91 : i32 to vector<256x128xi32>
    %eq3A_93 = arith.cmpi eq, %iota3A, %eq3A_92 : vector<256x128xi32>
    %jit3A_94 = arith.constant 0 : i32
    %broadcast_in_dim3A_95 = vector.shape_cast %broadcast_in_dim3A_84 : vector<256x1xi32> to vector<256x1xi32>
    %broadcast_in_dim3A_96 = vector.broadcast %broadcast_in_dim3A_95 : vector<256x1xi32> to vector<256x128xi32>
    %broadcast_in_dim3A_97 = vector.broadcast %jit3A_94 : i32 to vector<256x128xi32>
    %select_n3A_98 = arith.select %eq3A_93, %broadcast_in_dim3A_96, %broadcast_in_dim3A_97 : vector<256x128xi1>, vector<256x128xi32>
    %broadcast_in_dim3A_99 = vector.shape_cast %broadcast_in_dim3A_68 : vector<256x1xi32> to vector<256x1xi32>
    %broadcast_in_dim3A_100 = vector.broadcast %broadcast_in_dim3A_99 : vector<256x1xi32> to vector<256x128xi32>
    %select_n3A_101 = arith.select %eq3A_90, %broadcast_in_dim3A_100, %select_n3A_98 : vector<256x128xi1>, vector<256x128xi32>
    %swap3A_102 = arith.constant 0 : index
    %swap3A_103 = arith.constant 0 : index
    %swap3A_104 = vector.load %arg9[%swap3A_102, %swap3A_103] : memref<256x128xi32, #tpu.memory_space<vmem>>, vector<256x128xi32>
    tpu.vector_store %arg9[%swap3A_102, %swap3A_103], %select_n3A_101 {strides = array<i32>} : memref<256x128xi32, #tpu.memory_space<vmem>>, vector<256x128xi32>,
    %eq3A_105 = arith.constant 0 : i32
    %eq3A_106 = vector.broadcast %eq3A_105 : i32 to vector<256x128xi32>
    %eq3A_107 = arith.cmpi eq, %iota3A, %eq3A_106 : vector<256x128xi32>
    %eq3A_108 = arith.constant 1 : i32
    %eq3A_109 = vector.broadcast %eq3A_108 : i32 to vector<256x128xi32>
    %eq3A_110 = arith.cmpi eq, %iota3A, %eq3A_109 : vector<256x128xi32>
    %jit3A_111 = arith.constant 0.000000e+00 : f32
    %broadcast_in_dim3A_112 = vector.shape_cast %div3A_87 : vector<256x1xf32> to vector<256x1xf32>
    %broadcast_in_dim3A_113 = vector.broadcast %broadcast_in_dim3A_112 : vector<256x1xf32> to vector<256x128xf32>
    %broadcast_in_dim3A_114 = vector.broadcast %jit3A_111 : f32 to vector<256x128xf32>
    %select_n3A_115 = arith.select %eq3A_110, %broadcast_in_dim3A_113, %broadcast_in_dim3A_114 : vector<256x128xi1>, vector<256x128xf32>
    %broadcast_in_dim3A_116 = vector.shape_cast %div3A_86 : vector<256x1xf32> to vector<256x1xf32>
    %broadcast_in_dim3A_117 = vector.broadcast %broadcast_in_dim3A_116 : vector<256x1xf32> to vector<256x128xf32>
    %select_n3A_118 = arith.select %eq3A_107, %broadcast_in_dim3A_117, %select_n3A_115 : vector<256x128xi1>, vector<256x128xf32>
    %swap3A_119 = arith.constant 0 : index
    %swap3A_120 = arith.constant 0 : index
    %swap3A_121 = vector.load %arg10[%swap3A_119, %swap3A_120] : memref<256x128xf32, #tpu.memory_space<vmem>>, vector<256x128xf32>
    tpu.vector_store %arg10[%swap3A_119, %swap3A_120], %select_n3A_118 {strides = array<i32>} : memref<256x128xf32, #tpu.memory_space<vmem>>, vector<256x128xf32>,
    return
  }
  func.func @transform_0(%arg0: i32) -> (i32, i32) {
    %c0_i32 = arith.constant 0 : i32
    %c0_i32_0 = arith.constant 0 : i32
    return %arg0, %c0_i32 : i32, i32
  }
  func.func @transform_1(%arg0: i32) -> (i32, i32) {
    %c0_i32 = arith.constant 0 : i32
    %c0_i32_0 = arith.constant 0 : i32
    return %arg0, %c0_i32 : i32, i32
  }
  func.func @transform_2(%arg0: i32) -> (i32, i32) {
    %c0_i32 = arith.constant 0 : i32
    %c0_i32_0 = arith.constant 0 : i32
    %c0_i32_1 = arith.constant 0 : i32
    return %c0_i32, %c0_i32_0 : i32, i32
  }
  func.func @transform_3(%arg0: i32) -> i32 {
    %c0_i32 = arith.constant 0 : i32
    %c0_i32_0 = arith.constant 0 : i32
    return %c0_i32 : i32
  }
  func.func @transform_4(%arg0: i32) -> i32 {
    %c0_i32 = arith.constant 0 : i32
    %c0_i32_0 = arith.constant 0 : i32
    return %c0_i32 : i32
  }
  func.func @transform_5(%arg0: i32) -> (i32, i32) {
    %c0_i32 = arith.constant 0 : i32
    %c0_i32_0 = arith.constant 0 : i32
    %c0_i32_1 = arith.constant 0 : i32
    return %c0_i32, %c0_i32_0 : i32, i32
  }
  func.func @transform_6(%arg0: i32) -> (i32, i32) {
    %c0_i32 = arith.constant 0 : i32
    %c0_i32_0 = arith.constant 0 : i32
    return %arg0, %c0_i32 : i32, i32
  }
  func.func @transform_7(%arg0: i32) -> (i32, i32) {
    %c0_i32 = arith.constant 0 : i32
    %c0_i32_0 = arith.constant 0 : i32
    return %arg0, %c0_i32 : i32, i32
  }
  func.func @transform_8(%arg0: i32) -> (i32, i32) {
    %c0_i32 = arith.constant 0 : i32
    %c0_i32_0 = arith.constant 0 : i32
    return %arg0, %c0_i32 : i32, i32
  }
  func.func @transform_9(%arg0: i32) -> (i32, i32) {
    %c0_i32 = arith.constant 0 : i32
    %c0_i32_0 = arith.constant 0 : i32
    return %arg0, %c0_i32 : i32, i32
  }
}

module attributes {stable_mosaic.version = 14 : i64} {
  func.func @_k4_body(%arg0: i32, %arg1: memref<1x1x512xi32, #tpu.memory_space<vmem>>, %arg2: memref<1x1x512xf32, #tpu.memory_space<vmem>>, %arg3: memref<1x1x512xi32, #tpu.memory_space<vmem>>, %arg4: memref<1x1x512xi32, #tpu.memory_space<vmem>>, %arg5: memref<256x16xf32, #tpu.memory_space<vmem>>, %arg6: memref<256x16xf32, #tpu.memory_space<vmem>>, %arg7: memref<1x128xi32, #tpu.memory_space<vmem>>, %arg8: memref<1x128xf32, #tpu.memory_space<vmem>>) attributes {dimension_semantics = [#tpu.dimension_semantics<arbitrary>], iteration_bounds = array<i64: 8>, scalar_prefetch = 0 : i64, scratch_operands = 1 : i64, tpu.core_type = #tpu.core_type<tc>, window_params = [{transform_indices = @transform_0, window_bounds = array<i64: 1, 1, 512>}, {transform_indices = @transform_1, window_bounds = array<i64: 1, 1, 512>}, {transform_indices = @transform_2, window_bounds = array<i64: 1, 1, 512>}, {transform_indices = @transform_3, window_bounds = array<i64: 1, 1, 512>}, {transform_indices = @transform_4, window_bounds = array<i64: 256, 16>}, {transform_indices = @transform_5, window_bounds = array<i64: 256, 16>}, {pipeline_mode = #tpu.pipeline_mode<synchronous>, transform_indices = @transform_6, window_bounds = array<i64: 1, 128>}]} {
    %eq3A = arith.constant 0 : i32
    %eq3A_0 = arith.cmpi eq, %arg0, %eq3A : i32
    %convert_element_type3A = arith.extui %eq3A_0 : i1 to i32
    %cond3A = arith.constant 0 : i32
    %cond3A_1 = arith.cmpi ne, %convert_element_type3A, %cond3A : i32
    scf.if %cond3A_1 {
      %broadcast_in_dim3A_80 = arith.constant 0.000000e+00 : f32
      %broadcast_in_dim3A_81 = vector.broadcast %broadcast_in_dim3A_80 : f32 to vector<1x128xf32>
      %swap3A_82 = arith.constant 0 : index
      %swap3A_83 = arith.constant 0 : index
      %swap3A_84 = vector.load %arg8[%swap3A_82, %swap3A_83] : memref<1x128xf32, #tpu.memory_space<vmem>>, vector<1x128xf32>
      tpu.vector_store %arg8[%swap3A_82, %swap3A_83], %broadcast_in_dim3A_81 {strides = array<i32>} : memref<1x128xf32, #tpu.memory_space<vmem>>, vector<1x128xf32>,
    } else {
    }
    %get3A = arith.constant 0 : index
    %get3A_2 = arith.constant 0 : index
    %get3A_3 = arith.constant 0 : index
    %get3A_4 = vector.load %arg1[%get3A, %get3A_2, %get3A_3] : memref<1x1x512xi32, #tpu.memory_space<vmem>>, vector<1x1x512xi32>
    %get3A_5 = vector.shape_cast %get3A_4 : vector<1x1x512xi32> to vector<512xi32>
    %get3A_6 = arith.constant 0 : index
    %get3A_7 = arith.constant 0 : index
    %get3A_8 = arith.constant 0 : index
    %get3A_9 = vector.load %arg2[%get3A_6, %get3A_7, %get3A_8] : memref<1x1x512xf32, #tpu.memory_space<vmem>>, vector<1x1x512xf32>
    %get3A_10 = vector.shape_cast %get3A_9 : vector<1x1x512xf32> to vector<512xf32>
    %iota3A = tpu.iota {dimensions = array<i32: 1>} : vector<512x128xi32>
    %broadcast_in_dim3A = vector.shape_cast %get3A_5 : vector<512xi32> to vector<512x1xi32>
    %eq3A_11 = vector.broadcast %broadcast_in_dim3A : vector<512x1xi32> to vector<512x128xi32>
    %eq3A_12 = arith.cmpi eq, %eq3A_11, %iota3A : vector<512x128xi32>
    %convert_element_type3A_13 = arith.extui %eq3A_12 : vector<512x128xi1> to vector<512x128xi32>
    %convert_element_type3A_14 = arith.sitofp %convert_element_type3A_13 : vector<512x128xi32> to vector<512x128xf32>
    %convert_element_type3A_15 = arith.truncf %convert_element_type3A_14 : vector<512x128xf32> to vector<512x128xbf16>
    %iota3A_16 = tpu.iota {dimensions = array<i32: 0>} : vector<512x512xi32>
    %iota3A_17 = tpu.iota {dimensions = array<i32: 1>} : vector<512x512xi32>
    %gt3A = arith.cmpi sgt, %iota3A_16, %iota3A_17 : vector<512x512xi32>
    %convert_element_type3A_18 = arith.extui %gt3A : vector<512x512xi1> to vector<512x512xi32>
    %convert_element_type3A_19 = arith.sitofp %convert_element_type3A_18 : vector<512x512xi32> to vector<512x512xf32>
    %convert_element_type3A_20 = arith.truncf %convert_element_type3A_19 : vector<512x512xf32> to vector<512x512xbf16>
    %dot_general3A = arith.constant dense<0.000000e+00> : vector<512x128xf32>
    %dot_general3A_21 = tpu.matmul %convert_element_type3A_20, %convert_element_type3A_15, %dot_general3A {dimension_numbers = #tpu.dot_dimension_numbers<[1], [0], [0], [1], [0, 0, 1, 1], [], []>, transpose_lhs_hint = false} : vector<512x512xbf16>, vector<512x128xbf16>, vector<512x128xf32> -> vector<512x128xf32>
    %convert_element_type3A_22 = arith.extf %convert_element_type3A_15 : vector<512x128xbf16> to vector<512x128xf32>
    %get3A_23 = arith.constant 0 : index
    %get3A_24 = arith.constant 0 : index
    %get3A_25 = vector.load %arg8[%get3A_23, %get3A_24] : memref<1x128xf32, #tpu.memory_space<vmem>>, vector<1x128xf32>
    %add3A = vector.broadcast %get3A_25 : vector<1x128xf32> to vector<512x128xf32>
    %add3A_26 = arith.addf %dot_general3A_21, %add3A : vector<512x128xf32>
    %mul3A = arith.mulf %convert_element_type3A_22, %add3A_26 : vector<512x128xf32>
    %reduce_sum3A = arith.constant dense<0.000000e+00> : vector<512xf32>
    %reduce_sum3A_27 = vector.multi_reduction <add>, %mul3A, %reduce_sum3A [1] : vector<512x128xf32> to vector<512xf32>
    %lt3A = arith.constant 6.400000e+02 : f32
    %lt3A_28 = vector.broadcast %lt3A : f32 to vector<512xf32>
    %lt3A_29 = arith.cmpf olt, %reduce_sum3A_27, %lt3A_28 : vector<512xf32>
    %mul3A_30 = arith.constant 640 : i32
    %mul3A_31 = vector.broadcast %mul3A_30 : i32 to vector<512xi32>
    %mul3A_32 = arith.muli %get3A_5, %mul3A_31 : vector<512xi32>
    %convert_element_type3A_33 = arith.fptosi %reduce_sum3A_27 : vector<512xf32> to vector<512xi32>
    %add3A_34 = arith.addi %mul3A_32, %convert_element_type3A_33 : vector<512xi32>
    %jit3A = arith.constant 5120 : i32
    %broadcast_in_dim3A_35 = vector.broadcast %jit3A : i32 to vector<512xi32>
    %select_n3A = arith.select %lt3A_29, %add3A_34, %broadcast_in_dim3A_35 : vector<512xi1>, vector<512xi32>
    %swap3A = arith.constant 0 : index
    %swap3A_36 = arith.constant 0 : index
    %swap3A_37 = arith.constant 0 : index
    %swap3A_38 = vector.load %arg3[%swap3A, %swap3A_36, %swap3A_37] : memref<1x1x512xi32, #tpu.memory_space<vmem>>, vector<1x1x512xi32>
    %swap3A_39 = vector.shape_cast %swap3A_38 : vector<1x1x512xi32> to vector<512xi32>
    %swap3A_40 = vector.shape_cast %select_n3A : vector<512xi32> to vector<1x1x512xi32>
    tpu.vector_store %arg3[%swap3A, %swap3A_36, %swap3A_37], %swap3A_40 {strides = array<i32>} : memref<1x1x512xi32, #tpu.memory_space<vmem>>, vector<1x1x512xi32>,
    %jit3A_41 = arith.constant 0 : i32
    %broadcast_in_dim3A_42 = vector.broadcast %jit3A_41 : i32 to vector<512xi32>
    %select_n3A_43 = arith.select %lt3A_29, %add3A_34, %broadcast_in_dim3A_42 : vector<512xi1>, vector<512xi32>
    %swap3A_44 = arith.constant 0 : index
    %swap3A_45 = arith.constant 0 : index
    %swap3A_46 = arith.constant 0 : index
    %swap3A_47 = vector.load %arg4[%swap3A_44, %swap3A_45, %swap3A_46] : memref<1x1x512xi32, #tpu.memory_space<vmem>>, vector<1x1x512xi32>
    %swap3A_48 = vector.shape_cast %swap3A_47 : vector<1x1x512xi32> to vector<512xi32>
    %swap3A_49 = vector.shape_cast %select_n3A_43 : vector<512xi32> to vector<1x1x512xi32>
    tpu.vector_store %arg4[%swap3A_44, %swap3A_45, %swap3A_46], %swap3A_49 {strides = array<i32>} : memref<1x1x512xi32, #tpu.memory_space<vmem>>, vector<1x1x512xi32>,
    %jit3A_50 = arith.constant 0.000000e+00 : f32
    %broadcast_in_dim3A_51 = vector.broadcast %jit3A_50 : f32 to vector<512xf32>
    %select_n3A_52 = arith.select %lt3A_29, %get3A_10, %broadcast_in_dim3A_51 : vector<512xi1>, vector<512xf32>
    %reshape3A = vector.shape_cast %select_n3A_52 : vector<512xf32> to vector<256x2xf32>
    %slice3A = vector.extract_strided_slice %reshape3A {offsets = [0, 0], sizes = [256, 1], strides = [1, 1]} : vector<256x2xf32> to vector<256x1xf32>
    %broadcast_in_dim3A_53 = vector.shape_cast %slice3A : vector<256x1xf32> to vector<256x1xf32>
    %broadcast_in_dim3A_54 = vector.broadcast %broadcast_in_dim3A_53 : vector<256x1xf32> to vector<256x16xf32>
    %swap3A_55 = arith.constant 0 : index
    %swap3A_56 = arith.constant 0 : index
    %swap3A_57 = vector.load %arg5[%swap3A_55, %swap3A_56] : memref<256x16xf32, #tpu.memory_space<vmem>>, vector<256x16xf32>
    tpu.vector_store %arg5[%swap3A_55, %swap3A_56], %broadcast_in_dim3A_54 {strides = array<i32>} : memref<256x16xf32, #tpu.memory_space<vmem>>, vector<256x16xf32>,
    %slice3A_58 = vector.extract_strided_slice %reshape3A {offsets = [0, 1], sizes = [256, 1], strides = [1, 1]} : vector<256x2xf32> to vector<256x1xf32>
    %broadcast_in_dim3A_59 = vector.shape_cast %slice3A_58 : vector<256x1xf32> to vector<256x1xf32>
    %broadcast_in_dim3A_60 = vector.broadcast %broadcast_in_dim3A_59 : vector<256x1xf32> to vector<256x16xf32>
    %swap3A_61 = arith.constant 0 : index
    %swap3A_62 = arith.constant 0 : index
    %swap3A_63 = vector.load %arg6[%swap3A_61, %swap3A_62] : memref<256x16xf32, #tpu.memory_space<vmem>>, vector<256x16xf32>
    tpu.vector_store %arg6[%swap3A_61, %swap3A_62], %broadcast_in_dim3A_60 {strides = array<i32>} : memref<256x16xf32, #tpu.memory_space<vmem>>, vector<256x16xf32>,
    %get3A_64 = arith.constant 0 : index
    %get3A_65 = arith.constant 0 : index
    %get3A_66 = vector.load %arg8[%get3A_64, %get3A_65] : memref<1x128xf32, #tpu.memory_space<vmem>>, vector<1x128xf32>
    %convert_element_type3A_67 = arith.extf %convert_element_type3A_15 : vector<512x128xbf16> to vector<512x128xf32>
    %reduce_sum3A_68 = arith.constant dense<0.000000e+00> : vector<128xf32>
    %reduce_sum3A_69 = vector.multi_reduction <add>, %convert_element_type3A_67, %reduce_sum3A_68 [0] : vector<512x128xf32> to vector<128xf32>
    %broadcast_in_dim3A_70 = vector.shape_cast %reduce_sum3A_69 : vector<128xf32> to vector<1x128xf32>
    %add3A_71 = arith.addf %get3A_66, %broadcast_in_dim3A_70 : vector<1x128xf32>
    %swap3A_72 = arith.constant 0 : index
    %swap3A_73 = arith.constant 0 : index
    %swap3A_74 = vector.load %arg8[%swap3A_72, %swap3A_73] : memref<1x128xf32, #tpu.memory_space<vmem>>, vector<1x128xf32>
    tpu.vector_store %arg8[%swap3A_72, %swap3A_73], %add3A_71 {strides = array<i32>} : memref<1x128xf32, #tpu.memory_space<vmem>>, vector<1x128xf32>,
    %eq3A_75 = arith.constant 7 : i32
    %eq3A_76 = arith.cmpi eq, %arg0, %eq3A_75 : i32
    %convert_element_type3A_77 = arith.extui %eq3A_76 : i1 to i32
    %cond3A_78 = arith.constant 0 : i32
    %cond3A_79 = arith.cmpi ne, %convert_element_type3A_77, %cond3A_78 : i32
    scf.if %cond3A_79 {
      %get3A_80 = arith.constant 0 : index
      %get3A_81 = arith.constant 0 : index
      %get3A_82 = vector.load %arg8[%get3A_80, %get3A_81] : memref<1x128xf32, #tpu.memory_space<vmem>>, vector<1x128xf32>
      %min3A = arith.constant 6.400000e+02 : f32
      %min3A_83 = vector.broadcast %min3A : f32 to vector<1x128xf32>
      %min3A_84 = arith.minimumf %get3A_82, %min3A_83 : vector<1x128xf32>
      %convert_element_type3A_85 = arith.fptosi %min3A_84 : vector<1x128xf32> to vector<1x128xi32>
      %swap3A_86 = arith.constant 0 : index
      %swap3A_87 = arith.constant 0 : index
      %swap3A_88 = vector.load %arg7[%swap3A_86, %swap3A_87] : memref<1x128xi32, #tpu.memory_space<vmem>>, vector<1x128xi32>
      tpu.vector_store %arg7[%swap3A_86, %swap3A_87], %convert_element_type3A_85 {strides = array<i32>} : memref<1x128xi32, #tpu.memory_space<vmem>>, vector<1x128xi32>,
    } else {
    }
    return
  }
  func.func @transform_0(%arg0: i32) -> (i32, i32, i32) {
    %c0_i32 = arith.constant 0 : i32
    %c0_i32_0 = arith.constant 0 : i32
    %c0_i32_1 = arith.constant 0 : i32
    return %arg0, %c0_i32, %c0_i32_0 : i32, i32, i32
  }
  func.func @transform_1(%arg0: i32) -> (i32, i32, i32) {
    %c0_i32 = arith.constant 0 : i32
    %c0_i32_0 = arith.constant 0 : i32
    %c0_i32_1 = arith.constant 0 : i32
    return %arg0, %c0_i32, %c0_i32_0 : i32, i32, i32
  }
  func.func @transform_2(%arg0: i32) -> (i32, i32, i32) {
    %c0_i32 = arith.constant 0 : i32
    %c0_i32_0 = arith.constant 0 : i32
    %c0_i32_1 = arith.constant 0 : i32
    return %arg0, %c0_i32, %c0_i32_0 : i32, i32, i32
  }
  func.func @transform_3(%arg0: i32) -> (i32, i32, i32) {
    %c0_i32 = arith.constant 0 : i32
    %c0_i32_0 = arith.constant 0 : i32
    %c0_i32_1 = arith.constant 0 : i32
    return %arg0, %c0_i32, %c0_i32_0 : i32, i32, i32
  }
  func.func @transform_4(%arg0: i32) -> (i32, i32) {
    %c0_i32 = arith.constant 0 : i32
    %c0_i32_0 = arith.constant 0 : i32
    return %arg0, %c0_i32 : i32, i32
  }
  func.func @transform_5(%arg0: i32) -> (i32, i32) {
    %c0_i32 = arith.constant 0 : i32
    %c0_i32_0 = arith.constant 0 : i32
    return %arg0, %c0_i32 : i32, i32
  }
  func.func @transform_6(%arg0: i32) -> (i32, i32) {
    %c0_i32 = arith.constant 0 : i32
    %c0_i32_0 = arith.constant 0 : i32
    %c0_i32_1 = arith.constant 0 : i32
    return %c0_i32, %c0_i32_0 : i32, i32
  }
}

module attributes {stable_mosaic.version = 14 : i64} {
  func.func @_k5_body(%arg0: i32, %arg1: i32, %arg2: memref<8xi32, #tpu.memory_space<smem>>, %arg3: memref<640x1024xf32, #tpu.memory_space<vmem>>, %arg4: memref<1x1024x1024xbf16, #tpu.memory_space<vmem>>, %arg5: memref<1x1024x1024xbf16, #tpu.memory_space<vmem>>, %arg6: memref<640x1024xf32, #tpu.memory_space<vmem>>) attributes {dimension_semantics = [#tpu.dimension_semantics<arbitrary>, #tpu.dimension_semantics<arbitrary>], iteration_bounds = array<i64: 8, 4>, scalar_prefetch = 1 : i64, scratch_operands = 0 : i64, tpu.core_type = #tpu.core_type<tc>, window_params = [{transform_indices = @transform_0, window_bounds = array<i64: 640, 1024>}, {transform_indices = @transform_1, window_bounds = array<i64: 1, 1024, 1024>}, {transform_indices = @transform_2, window_bounds = array<i64: 1, 1024, 1024>}, {transform_indices = @transform_3, window_bounds = array<i64: 640, 1024>}]} {
    %iota3A = tpu.iota {dimensions = array<i32: 0>} : vector<640x1024xi32>
    %get3A = arith.index_cast %arg0 : i32 to index
    %get3A_0 = memref.load %arg2[%get3A] : memref<8xi32, #tpu.memory_space<smem>>
    %lt3A = vector.broadcast %get3A_0 : i32 to vector<640x1024xi32>
    %lt3A_1 = arith.cmpi slt, %iota3A, %lt3A : vector<640x1024xi32>
    %get3A_2 = arith.constant 0 : index
    %get3A_3 = arith.constant 0 : index
    %get3A_4 = vector.load %arg3[%get3A_2, %get3A_3] : memref<640x1024xf32, #tpu.memory_space<vmem>>, vector<640x1024xf32>
    %jit3A = arith.constant 0.000000e+00 : f32
    %broadcast_in_dim3A = vector.broadcast %jit3A : f32 to vector<640x1024xf32>
    %select_n3A = arith.select %lt3A_1, %get3A_4, %broadcast_in_dim3A : vector<640x1024xi1>, vector<640x1024xf32>
    %convert_element_type3A = arith.truncf %select_n3A : vector<640x1024xf32> to vector<640x1024xbf16>
    %get3A_5 = arith.constant 0 : index
    %get3A_6 = arith.constant 0 : index
    %get3A_7 = arith.constant 0 : index
    %get3A_8 = vector.load %arg4[%get3A_5, %get3A_6, %get3A_7] : memref<1x1024x1024xbf16, #tpu.memory_space<vmem>>, vector<1x1024x1024xbf16>
    %get3A_9 = vector.shape_cast %get3A_8 : vector<1x1024x1024xbf16> to vector<1024x1024xbf16>
    %dot_general3A = arith.constant dense<0.000000e+00> : vector<640x1024xf32>
    %dot_general3A_10 = tpu.matmul %convert_element_type3A, %get3A_9, %dot_general3A {dimension_numbers = #tpu.dot_dimension_numbers<[1], [0], [0], [1], [0, 0, 1, 1], [], []>, transpose_lhs_hint = false} : vector<640x1024xbf16>, vector<1024x1024xbf16>, vector<640x1024xf32> -> vector<640x1024xf32>
    %integer_pow3A = arith.mulf %dot_general3A_10, %dot_general3A_10 : vector<640x1024xf32>
    %integer_pow3A_11 = arith.mulf %dot_general3A_10, %integer_pow3A : vector<640x1024xf32>
    %mul3A = arith.constant 4.471500e-02 : f32
    %mul3A_12 = vector.broadcast %mul3A : f32 to vector<640x1024xf32>
    %mul3A_13 = arith.mulf %mul3A_12, %integer_pow3A_11 : vector<640x1024xf32>
    %add3A = arith.addf %dot_general3A_10, %mul3A_13 : vector<640x1024xf32>
    %mul3A_14 = arith.constant 0.797884583 : f32
    %mul3A_15 = vector.broadcast %mul3A_14 : f32 to vector<640x1024xf32>
    %mul3A_16 = arith.mulf %mul3A_15, %add3A : vector<640x1024xf32>
    %tanh3A = math.tanh %mul3A_16 : vector<640x1024xf32>
    %add3A_17 = arith.constant 1.000000e+00 : f32
    %add3A_18 = vector.broadcast %add3A_17 : f32 to vector<640x1024xf32>
    %add3A_19 = arith.addf %add3A_18, %tanh3A : vector<640x1024xf32>
    %mul3A_20 = arith.constant 5.000000e-01 : f32
    %mul3A_21 = vector.broadcast %mul3A_20 : f32 to vector<640x1024xf32>
    %mul3A_22 = arith.mulf %mul3A_21, %add3A_19 : vector<640x1024xf32>
    %mul3A_23 = arith.mulf %dot_general3A_10, %mul3A_22 : vector<640x1024xf32>
    %convert_element_type3A_24 = arith.truncf %mul3A_23 : vector<640x1024xf32> to vector<640x1024xbf16>
    %get3A_25 = arith.constant 0 : index
    %get3A_26 = arith.constant 0 : index
    %get3A_27 = arith.constant 0 : index
    %get3A_28 = vector.load %arg5[%get3A_25, %get3A_26, %get3A_27] : memref<1x1024x1024xbf16, #tpu.memory_space<vmem>>, vector<1x1024x1024xbf16>
    %get3A_29 = vector.shape_cast %get3A_28 : vector<1x1024x1024xbf16> to vector<1024x1024xbf16>
    %dot_general3A_30 = arith.constant dense<0.000000e+00> : vector<640x1024xf32>
    %dot_general3A_31 = tpu.matmul %convert_element_type3A_24, %get3A_29, %dot_general3A_30 {dimension_numbers = #tpu.dot_dimension_numbers<[1], [0], [0], [1], [0, 0, 1, 1], [], []>, transpose_lhs_hint = false} : vector<640x1024xbf16>, vector<1024x1024xbf16>, vector<640x1024xf32> -> vector<640x1024xf32>
    %eq3A = arith.constant 0 : i32
    %eq3A_32 = arith.cmpi eq, %arg1, %eq3A : i32
    %convert_element_type3A_33 = arith.extui %eq3A_32 : i1 to i32
    %cond3A = arith.constant 0 : i32
    %cond3A_34 = arith.cmpi ne, %convert_element_type3A_33, %cond3A : i32
    scf.if %cond3A_34 {
      %swap3A = arith.constant 0 : index
      %swap3A_39 = arith.constant 0 : index
      %swap3A_40 = vector.load %arg6[%swap3A, %swap3A_39] : memref<640x1024xf32, #tpu.memory_space<vmem>>, vector<640x1024xf32>
      tpu.vector_store %arg6[%swap3A, %swap3A_39], %dot_general3A_31 {strides = array<i32>} : memref<640x1024xf32, #tpu.memory_space<vmem>>, vector<640x1024xf32>,
    } else {
    }
    %ne3A = arith.constant 0 : i32
    %ne3A_35 = arith.cmpi ne, %arg1, %ne3A : i32
    %convert_element_type3A_36 = arith.extui %ne3A_35 : i1 to i32
    %cond3A_37 = arith.constant 0 : i32
    %cond3A_38 = arith.cmpi ne, %convert_element_type3A_36, %cond3A_37 : i32
    scf.if %cond3A_38 {
      %get3A_39 = arith.constant 0 : index
      %get3A_40 = arith.constant 0 : index
      %get3A_41 = vector.load %arg6[%get3A_39, %get3A_40] : memref<640x1024xf32, #tpu.memory_space<vmem>>, vector<640x1024xf32>
      %add3A_42 = arith.addf %get3A_41, %dot_general3A_31 : vector<640x1024xf32>
      %swap3A = arith.constant 0 : index
      %swap3A_43 = arith.constant 0 : index
      %swap3A_44 = vector.load %arg6[%swap3A, %swap3A_43] : memref<640x1024xf32, #tpu.memory_space<vmem>>, vector<640x1024xf32>
      tpu.vector_store %arg6[%swap3A, %swap3A_43], %add3A_42 {strides = array<i32>} : memref<640x1024xf32, #tpu.memory_space<vmem>>, vector<640x1024xf32>,
    } else {
    }
    return
  }
  func.func @transform_0(%arg0: i32, %arg1: i32, %arg2: memref<8xi32, #tpu.memory_space<smem>>) -> (i32, i32) {
    %c0_i32 = arith.constant 0 : i32
    %c0_i32_0 = arith.constant 0 : i32
    return %arg0, %c0_i32 : i32, i32
  }
  func.func @transform_1(%arg0: i32, %arg1: i32, %arg2: memref<8xi32, #tpu.memory_space<smem>>) -> (i32, i32, i32) {
    %c0_i32 = arith.constant 0 : i32
    %c0_i32_0 = arith.constant 0 : i32
    return %arg0, %c0_i32, %arg1 : i32, i32, i32
  }
  func.func @transform_2(%arg0: i32, %arg1: i32, %arg2: memref<8xi32, #tpu.memory_space<smem>>) -> (i32, i32, i32) {
    %c0_i32 = arith.constant 0 : i32
    %c0_i32_0 = arith.constant 0 : i32
    return %arg0, %arg1, %c0_i32 : i32, i32, i32
  }
  func.func @transform_3(%arg0: i32, %arg1: i32, %arg2: memref<8xi32, #tpu.memory_space<smem>>) -> (i32, i32) {
    %c0_i32 = arith.constant 0 : i32
    %c0_i32_0 = arith.constant 0 : i32
    return %arg0, %c0_i32 : i32, i32
  }
}

</mosaic_0001>

<sc_bundles>
// kernel: kernel.12.cloned.1.call-start
scs
__scs_entry_jumppad:
0x0: {  	(pc) =	sbr.rel $0x88, $3  }
0x1: {  	(tag) =	ssettag $0x0;
	lr =	simm.s32 $0x1  }
0x2: {  	[smem:$0x3F97] =	sst lr;
	_ =	strace $0xD0000000  }
0x3: {  	_ = 	snop  }
0x4: {  	_ = 	snop  }
0x5: {  	_ = 	snop  }
0x6: {  	_ = 	snop  }
0x7: {  	_ = 	snop  }
__scs_overlays_trampoline_lowered:
0x8: {  	[smem:$0x3FA6] =	sst s0  }
0x9: {  	[smem:$0x3FA7] =	sst s1  }
0xa: {  	[smem:$0x3FA8] =	sst s2  }
0xb: {  	[smem:$0x3FA9] =	sst s3  }
0xc: {  	[smem:$0x3FAA] =	sst s4  }
0xd: {  	[smem:$0x3FAB] =	sst s5  }
0xe: {  	[smem:$0x3FAC] =	sst s6  }
0xf: {  	[smem:$0x3FAD] =	sst s7  }
0x10: {  	[smem:$0x3FAE] =	sst s8  }
0x11: {  	[smem:$0x3FAF] =	sst s9;
	s0 =	simm.s32 @!p0 $0x0  }
0x12: {  	s1 =	sld [smem:$0x3F95];
	s0 =	simm.s32 @p0 $0x1  }
0x13: {  	[smem:$0x3FB0] =	sst s0;
	s0 =	simm.s32 @!p1 $0x0  }
0x14: {  	s2 =	sld [smem:$0x3F94];
	s0 =	simm.s32 @p1 $0x1  }
0x15: {  	[smem:$0x3FB1] =	sst s0;
	s0 =	simm.s32 @!p2 $0x0  }
0x16: {  	s3 =	sld [smem:$0x3FDB];
	s0 =	simm.s32 @p2 $0x1  }
0x17: {  	s4 =	simm.s32 $0x1BF5;
	[smem:$0x3FB3] =	sst s0  }
0x18: {  	s0 =	sld [smem:$0x3F96];
	_ =	swait.ge [sflag:s4], $0x0  }
0x19: {  	s7 =	sld [smem:$0x3F97]  }
0x1a: {  	s8 =	sadd.s32 $0xFFFFE003, lr  }
0x1b: {  	s9 =	sadd.s32 $0xFFFFFEF7, lr;
	s5 =	simm.s32 $0xFFFFFFFF;
	p2 =	slt.u32 s8, $0xFFFFF086  }
0x1c: {  	p1 =	slt.u32 s9, $0xF7A;
	s5 =	simm.s32 @!p2 $0x0  }
0x1d: {  	s5 =	simm.s32 @p1 $0x1;
	p0 =	seq.s32 s7, s2  }
0x1e: {  	s7 =	smul.u32 @!p0 $0xF7A, s2;
	p2 =	seq.s32 @!p0 s5, $0x0  }
0x1f: {  	s9 =	smul.u32 $0xF7A, s1;
	s8 =	simm.s32 @!p0 $0x1BF5;
	p2 =	por !p2, p0  }
0x20: {  	[sflag:s8] =	ssyncset.s32 @!p0 $0xFFFFF086;
	s6 =	sadd.s32 @!p0 s3, s7;
	s7 =	simm.s32 @!p0 $0x108  }
0x21: {  	s3 =	sadd.s32 s3, s9;
	s6 =	sadd.s32 @!p0 $0x88, s6;
	s7 =	simm.s32 @p2 $0x1082  }
0x22: {  	[simem:s7], [sflag:s8] =	dma.local @!p0 [hbm:s6], $0xF7A  }
0x23: {  	s9 =	sor.u32 $0xD0000000, s2;
	s6 =	simm.s32 $0x108;
	_ =	swait.ge @!p0 [sflag:s8], $0x0  }
0x24: {  	s3 =	sadd.s32 $0x88, s3;
	s6 =	simm.s32 @!p1 $0x1082;
	[sflag:s4] =	ssyncset.s32 $0xFFFFF086  }
0x25: {  	[simem:s6], [sflag:s4] =	dma.local [hbm:s3], $0xF7A  }
0x26: {  	[smem:$0x3F97] =	sst s1;
	(tag) =	ssettag s2;
	_ =	strace s9  }
0x27: {  	s1 =	sld [smem:$0x3FA7]  }
0x28: {  	s2 =	sld [smem:$0x3FA8]  }
0x29: {  	s4 =	sld [smem:$0x3FAA]  }
0x2a: {  	p0 =	seq.s32 s5, $0x0;
	s5 =	sld [smem:$0x3FAB]  }
0x2b: {  	s6 =	sld [smem:$0x3FAC]  }
0x2c: {  	s7 =	sld [smem:$0x3FAD]  }
0x2d: {  	s3 =	simm.s32 $0x108;
	s8 =	sld [smem:$0x3FAE]  }
0x2e: {  	s3 =	simm.s32 @!p0 $0x1082;
	s9 =	sld [smem:$0x3FAF]  }
0x2f: {  	lr =	sadd.s32 s0, s3;
	s0 =	sld [smem:$0x3FA6]  }
0x30: {  	s3 =	sld [smem:$0x3FA9]  }
0x31: {  	[smem:$0x3FB2] =	sst s10  }
0x32: {  	s10 =	sld [smem:$0x3FB0];
	_ =	sdelay $0x3  }
0x33: {  	p0 =	seq.s32 s10, $0x1;
	s10 =	sld [smem:$0x3FB2];
	_ =	sdelay $0x3  }
0x34: {  	[smem:$0x3FB2] =	sst s10  }
0x35: {  	s10 =	sld [smem:$0x3FB1];
	_ =	sdelay $0x3  }
0x36: {  	p1 =	seq.s32 s10, $0x1;
	s10 =	sld [smem:$0x3FB2];
	_ =	sdelay $0x3  }
0x37: {  	[smem:$0x3FB2] =	sst s10  }
0x38: {  	s10 =	sld [smem:$0x3FB3]  }
0x39: {  	_ = 	snop;
	(pc) =	sbr.ind lr, $3  }
0x3a: {  	_ = 	snop  }
0x3b: {  	_ = 	snop  }
0x3c: {  	p2 =	seq.s32 s10, $0x1;
	s10 =	sld [smem:$0x3FB2]  }
0x3d: {  	_ =	shalt  }
0x3e: {  	_ =	shalt  }
0x3f: {  	_ =	shalt  }
0x40: {  	_ =	shalt  }
0x41: {  	_ =	shalt  }
0x42: {  	_ =	shalt  }
0x43: {  	_ =	shalt  }
0x44: {  	_ =	shalt  }
0x45: {  	_ =	shalt  }
0x46: {  	_ =	shalt  }
0x47: {  	_ =	shalt  }
0x48: {  	_ =	shalt  }
0x49: {  	_ =	shalt  }
0x4a: {  	_ =	shalt  }
0x4b: {  	_ =	shalt  }
0x4c: {  	_ =	shalt  }
0x4d: {  	_ =	shalt  }
0x4e: {  	_ =	shalt  }
0x4f: {  	_ =	shalt  }
0x50: {  	_ =	shalt  }
0x51: {  	_ =	shalt  }
0x52: {  	_ =	shalt  }
0x53: {  	_ =	shalt  }
0x54: {  	_ =	shalt  }
0x55: {  	_ =	shalt  }
0x56: {  	_ =	shalt  }
0x57: {  	_ =	shalt  }
0x58: {  	_ =	shalt  }
0x59: {  	_ =	shalt  }
0x5a: {  	_ =	shalt  }
0x5b: {  	_ =	shalt  }
0x5c: {  	_ =	shalt  }
0x5d: {  	_ =	shalt  }
0x5e: {  	_ =	shalt  }
0x5f: {  	_ =	shalt  }
0x60: {  	_ =	shalt  }
0x61: {  	_ =	shalt  }
0x62: {  	_ =	shalt  }
0x63: {  	_ =	shalt  }
0x64: {  	_ =	shalt  }
0x65: {  	_ =	shalt  }
0x66: {  	_ =	shalt  }
0x67: {  	_ =	shalt  }
0x68: {  	_ =	shalt  }
0x69: {  	_ =	shalt  }
0x6a: {  	_ =	shalt  }
0x6b: {  	_ =	shalt  }
0x6c: {  	_ =	shalt  }
0x6d: {  	_ =	shalt  }
0x6e: {  	_ =	shalt  }
0x6f: {  	_ =	shalt  }
0x70: {  	_ =	shalt  }
0x71: {  	_ =	shalt  }
0x72: {  	_ =	shalt  }
0x73: {  	_ =	shalt  }
0x74: {  	_ =	shalt  }
0x75: {  	_ =	shalt  }
0x76: {  	_ =	shalt  }
0x77: {  	_ =	shalt  }
0x78: {  	_ =	shalt  }
0x79: {  	_ =	shalt  }
0x7a: {  	_ =	shalt  }
0x7b: {  	_ =	shalt  }
0x7c: {  	_ =	shalt  }
0x7d: {  	_ =	shalt  }
0x7e: {  	_ =	shalt  }
0x7f: {  	_ =	shalt  }
0x80: {  	_ =	shalt  }
0x81: {  	_ =	shalt  }
0x82: {  	_ =	shalt  }
0x83: {  	_ =	shalt  }
0x84: {  	_ =	shalt  }
0x85: {  	_ =	shalt  }
0x86: {  	_ =	shalt  }
0x87: {  	_ =	shalt  }
.Lfunc_end0:
.L_simem_size_0:
called_computation.1_lowered:
.L_overlay_start_0:
0x88: {  	s2 =	sld [smem:$0x3FD9]  }
0x89: {  	s3 =	sld [smem:$0x3FFE];
	_ =	sdelay $0x1  }
0x8a: {  	s1 =	srdreg.scid  }
0x8b: {  	s0 =	sand.u32 $0x1, s1  }
0x8c: {  	s16 =	sshll.u32 s0, $0xA;
	s2 =	sadd.s32 s3, s2  }
0x8d: {  	s2 =	sadd.s32 s2, s16  }
0x8e: {  	[smem:$0x3FBE] =	sst s2  }
0x8f: {  	_ = 	snop  }
0x90: {  	(tm) =	ssettm $0x1  }
0x91: {  	s17 =	sld [smem:$0x3FFB];
	_ =	sdelay $0x3  }
0x92: {  	_ =	strace s17  }
0x93: {  	s2 =	sld [smem:$0x3FFC];
	_ =	sdelay $0x3  }
0x94: {  	_ =	strace s2  }
0x95: {  	s2 =	sld [smem:$0x3FFD];
	_ =	sdelay $0x3  }
0x96: {  	_ =	strace s2  }
0x97: {  	_ =	strace $0x8FFFFFFF  }
0x98: {  	s18 =	sld [smem:$0x3FDB];
	_ =	sdelay $0x1  }
0x99: {  	s19 =	simm.s32 $_scs_section_size  }
0x9a: {  	s4 =	simm.s32 $_size__tile_overlayer_lowered;
	s5 =	simm.s32 $_tile_overlayer_lowered  }
0x9b: {  	s22 =	simm.s32 $0x1BFF;
	s21 =	sshll.u32 s5, $0x1;
	s2 =	sadd.s32 s19, s18  }
0x9c: {  	s6 =	simm.s32 $0x0;
	s20 =	sshll.u32 s4, $0x1;
	s4 =	sadd.s32 s21, s2  }
0x9d: {  	[timem:s6], [sflag:s22] =	dma.local [hbm:s4], s20  }
0x9e: {  	_ =	swait.ge [sflag:s22], s20  }
0x9f: {  	s3 =	ssub.s32 $0x0, s20;
	[sflag:s22] =	ssyncset.done $0x0  }
0xa0: {  	[sflag:s22] =	ssyncadd.s32 s3;
	_ =	sdelay $0x1  }
0xa1: {  	s23 =	simm.s32 $0x1B8B  }
0xa2: {  	_ =	swait.ge [sflag:s23], $0x1  }
0xa3: {  	[sflag:s23] =	ssyncset.done $0x0  }
0xa4: {  	s25 =	simm.s32 $0x1B8E;
	s24 =	sld [smem:$0x3FFE];
	[sflag:s23] =	ssyncadd.s32 $0xFFFFFFFF  }
0xa5: {  	s26 =	simm.s32 $execute0_lowered;
	[smem:$0x3FD2] =	sst s25  }
0xa6: {  	s4 =	sshll.u32 s26, $0x1;
	_ =	strace $0x80000049;
	[dreg:$0x1] =	wrdreg $0xFFFFFFFF  }
0xa7: {  	s28 =	simm.s32 $_size_execute0_lowered;
	s2 =	sadd.s32 s2, s4;
	[dreg:$0x0] =	wrdreg $0x0  }
0xa8: {  	s4 =	sshll.u32 s28, $0x1;
	[dreg:$0x2] =	wrdreg s2  }
0xa9: {  	[dreg:$0x3] =	wrdreg s4  }
0xaa: {  	[dreg:$0x4] =	wrdreg $0xC0  }
0xab: {  	_ =	task [dreg:s6], $0x5FFFF  }
0xac: {  	[dreg:$0x1] =	wrdreg $0xFFFFFFFF  }
0xad: {  	[dreg:$0x0] =	wrdreg $0x60  }
0xae: {  	[dreg:$0x2] =	wrdreg s24  }
0xaf: {  	[dreg:$0x3] =	wrdreg $0x9  }
0xb0: {  	_ =	task.clear_ibuf [dreg:s6], $0x4FFFF;
	_ =	strace $0x90000049  }
0xb1: {  	s29 =	simm.s32 $0x9;
	_ =	strace $0x8000004B  }
0xb2: {  	_ =	swait.ge [sflag:s29], $0x1  }
0xb3: {  	[sflag:s29] =	ssyncadd.s32 $0xFFFFFFFF  }
0xb4: {  	_ =	strace $0x9000004B  }
0xb5: {  	_ =	sfence  }
0xb6: {  	s30 =	sld [smem:$0x0];
	_ =	sdelay $0x2  }
0xb7: {  	s31 =	sshll.u32 s1, $0xD;
	s1 =	sshrl.u32 s1, $0x2  }
0xb8: {  	s3 =	sand.u32 $0x4000, s31;
	s1 =	sadd.s32 s1, s30  }
0xb9: {  	s0 =	sor.u32 s3, s0;
	s1 =	sshll.u32 s1, $0x11  }
0xba: {  	s0 =	sor.u32 s1, s0  }
0xbb: {  	s0 =	sadd.s32 $0x8F2B, s0  }
0xbc: {  	[sflag:s0] =	ssyncadd.remote.s32 $0x1  }
0xbd: {  	_ =	sfence.sel $0xFFFF  }
0xbe: {  	[dreg:$0x0] =	wrdreg $0xFFFFFFFF;
	(pc) =	sbr.abs _section_cstart, $3  }
0xbf: {  	[dreg:$0x1] =	wrdreg $0xFFFFFFFF  }
0xc0: {  	_ =	task.clear_ibuf [dreg:s6], $0x2FFFF;
	_ =	strace $0x9FFFFFFF  }
0xc1: {  	(tm) =	ssettm $0x7FFFFFFF  }
tec
execute0_lowered:
.L_overlay_start_1:
0x0: {  	(tag) =	ssettag $0x1  }
0x1: {  	s0 =	rddreg [dreg:$0x0]  }
0x2: {  	s1 =	simm.s32 $0x0;
	s26 =	srdreg.scid;
	s11 =	stileid.u32  }
0x3: {  	s16 =	simm.s32 $0x2;
	s29 =	simm.s32 $0x1;
	s30 =	simm.s32 $0x4000  }
0x4: {  	s31 =	simm.s32 $0x4800;
	s14 =	simm.s32 $0x6000;
	s15 =	simm.s32 $0x7000  }
0x5: {  	s17 =	simm.s32 $0x7800;
	s18 =	simm.s32 $0xC000;
	s20 =	simm.s32 $0x0  }
0x6: {  	[smem:$0x7FF] =	sst s1;
	s2 =	sadd.s32 $0x400, s0;
	s4 =	sadd.s32 $0x4F0E00, s0  }
0x7: {  	s3 =	sadd.s32 $0x50400, s0;
	s5 =	sadd.s32 $0x4F0C00, s0;
	s7 =	sadd.s32 $0x40400, s0  }
0x8: {  	s8 =	sadd.s32 $0x48400, s0;
	s1 =	sand.u32 $0x1, s26;
	s9 =	sadd.s32 $0xF0400, s0  }
0x9: {  	s11 =	sshll.u32 s11, $0x7;
	s12 =	sadd.s32 $0x50600, s0;
	s6 =	ssub.s32 $0x2, s1  }
0xa: {  	s13 =	sadd.s32 $0x50700, s0;
	s1 =	sshll.u32 s1, $0x6;
	s10 =	sshrl.u32 s6, $0x1  }
0xb: {  	v2 =	vlaneseq.u32;
	_ =	strace $0x8000004A;
	s6 =	ssub.s32 s6, s10;
	s10 =	sor.u32 s1, s11  }
0xc: {  	vm0 =	vmmov $0xffff;
	v1 =	vshrl.u32 v2, $0x3;
	s11 =	sadd.s32 $0x50500, s0;
	s0 =	simm.s32 $0x5000;
	s28 =	smax.u32 s6, $0x1  }
0xd: {  	v0 =	vand.u32 $0x7, v2;
	v2 =	vor.u32 $0x8, v2;
	v1 =	vmul.u32 $0x8, v1;
	s1 =	simm.s32 $0x6800;
	s6 =	simm.s32 $0x5800;
	[dreg:$0x2] =	wrdreg s28  }
.LBB2_1:
0xe: {  	[dreg:$0x3] =	wrdreg s20;
	s19 =	simm.s32 $0x0  }
.LBB2_2:
0xf: {  	s20 =	sshll.u32 s19, $0x4  }
0x10: {  	s20 =	sadd.s32 s10, s20  }
0x11: {  	s22 =	sshrl.u32 s20, $0x3  }
0x12: {  	s21 =	simm.s32 $0x0;
	s24 =	simm.s32 $0x10000;
	s23 =	sadd.s32 s4, s22  }
0x13: {  	[tilespmem:s24], [sflag:$0x2] =	stream.linear.gather [hbm4b:s23+s21], $0x10, $0x38;
	[tilespmem:$0x11100] =	vst v63  }
0x14: {  	_ =	swait.ge [sflag:s16], $0x10  }
0x15: {  	[sflag:s16] =	ssyncset.done $0x0  }
0x16: {  	s22 =	sadd.s32 s5, s22;
	s24 =	simm.s32 $0x10080;
	[sflag:s16] =	ssyncadd.s32 $0xFFFFFFF0  }
0x17: {  	[tilespmem:s24], [sflag:$0x2] =	stream.linear.gather [hbm4b:s22+s21], $0x10, $0x38;
	[tilespmem:$0x11100] =	vst v63  }
0x18: {  	_ =	swait.ge [sflag:s16], $0x10  }
0x19: {  	s25 =	sshll.u32 s20, $0x4;
	[sflag:s16] =	ssyncset.done $0x0  }
0x1a: {  	s28 =	simm.s32 $0x10100;
	s26 =	sadd.s32 s7, s25;
	[sflag:s16] =	ssyncadd.s32 $0xFFFFFFF0  }
0x1b: {  	[tilespmem:s28], [sflag:$0x2] =	stream.linear.gather [hbm4b:s26+s21], $0x800, $0x38;
	[tilespmem:$0x11100] =	vst v63  }
0x1c: {  	_ =	swait.ge [sflag:s16], $0x800  }
0x1d: {  	[sflag:s16] =	ssyncset.done $0x0  }
0x1e: {  	s22 =	sadd.s32 s8, s25;
	s25 =	simm.s32 $0x10900;
	[sflag:s16] =	ssyncadd.s32 $0xFFFFF800  }
0x1f: {  	[tilespmem:s25], [sflag:$0x2] =	stream.linear.gather [hbm4b:s22+s21], $0x800, $0x38;
	[tilespmem:$0x11100] =	vst v63  }
0x20: {  	_ =	swait.ge [sflag:s16], $0x800  }
0x21: {  	s20 =	sshll.u32 s20, $0x7;
	[sflag:s16] =	ssyncset.done $0x0  }
0x22: {  	s26 =	sadd.s32 s2, s20;
	s28 =	simm.s32 $0x8000;
	[sflag:s16] =	ssyncadd.s32 $0xFFFFF800  }
0x23: {  	[tilespmem:s28], [sflag:$0x2] =	stream.linear.gather [hbm4b:s26+s21], $0x4000, $0x38;
	[tilespmem:$0x11100] =	vst v63  }
0x24: {  	_ =	swait.ge [sflag:s16], $0x4000  }
0x25: {  	[sflag:s16] =	ssyncset.done $0x0  }
0x26: {  	[sflag:s16] =	ssyncadd.s32 $0xFFFFC000  }
0x27: {  	v3 =	vld [tilespmem:$0x10000];
	_ =	sdelay $0x4  }
0x28: {  	v4 =	vshll.u32 v3, $0x3  }
0x29: {  	v3 =	vand.u32 $0x7, v3;
	v4 =	vand.u32 $0xFFFFFFC0, v4  }
0x2a: {  	v3 =	vor.u32 v3, v4  }
0x2b: {  	v4 =	vperm.xlane v3, v0;
	_ =	sdelay $0x1  }
0x2c: {  	v4 =	vadd.s32 v1, v4;
	_ =	sdelay $0x4  }
0x2d: {  	[tilespmem:s21], [sflag:$0x1] =	stream.indirect_vreg.gather [hbm4b:s3+s21], $0x80, v4, vm0, $0xb8;
	[tilespmem:$0x11100] =	vst v63  }
0x2e: {  	s23 =	simm.s32 $0x800;
	v3 =	vperm.xlane v3, v2  }
0x2f: {  	[tilespmem:s23], [sflag:$0x1] =	stream.indirect_vreg.gather [hbm4b:s11+s21], $0x80, v4, vm0, $0xb8;
	[tilespmem:$0x11100] =	vst v63  }
0x30: {  	s24 =	simm.s32 $0x1000;
	v3 =	vadd.s32 v1, v3  }
0x31: {  	[tilespmem:s24], [sflag:$0x1] =	stream.indirect_vreg.gather [hbm4b:s12+s21], $0x80, v4, vm0, $0xb8;
	[tilespmem:$0x11100] =	vst v63  }
0x32: {  	s25 =	simm.s32 $0x1800  }
0x33: {  	[tilespmem:s25], [sflag:$0x1] =	stream.indirect_vreg.gather [hbm4b:s13+s21], $0x80, v4, vm0, $0xb8;
	[tilespmem:$0x11100] =	vst v63  }
0x34: {  	s26 =	simm.s32 $0x2000  }
0x35: {  	[tilespmem:s26], [sflag:$0x1] =	stream.indirect_vreg.gather [hbm4b:s3+s21], $0x80, v3, vm0, $0xb8;
	[tilespmem:$0x11100] =	vst v63  }
0x36: {  	s28 =	simm.s32 $0x2800  }
0x37: {  	[tilespmem:s28], [sflag:$0x1] =	stream.indirect_vreg.gather [hbm4b:s11+s21], $0x80, v3, vm0, $0xb8;
	[tilespmem:$0x11100] =	vst v63  }
0x38: {  	s23 =	simm.s32 $0x3000  }
0x39: {  	[tilespmem:s23], [sflag:$0x1] =	stream.indirect_vreg.gather [hbm4b:s12+s21], $0x80, v3, vm0, $0xb8;
	[tilespmem:$0x11100] =	vst v63  }
0x3a: {  	s24 =	simm.s32 $0x3800  }
0x3b: {  	[tilespmem:s24], [sflag:$0x1] =	stream.indirect_vreg.gather [hbm4b:s13+s21], $0x80, v3, vm0, $0xb8;
	[tilespmem:$0x11100] =	vst v63  }
0x3c: {  	_ =	swait.ge [sflag:s29], $0x4000  }
0x3d: {  	[sflag:s29] =	ssyncset.done $0x0  }
0x3e: {  	[sflag:s29] =	ssyncadd.s32 $0xFFFFC000  }
0x3f: {  	v3 =	vld [tilespmem:$0x10080];
	_ =	sdelay $0x4  }
0x40: {  	v4 =	vshll.u32 v3, $0x3  }
0x41: {  	v3 =	vand.u32 $0x7, v3;
	v4 =	vand.u32 $0xFFFFFFC0, v4  }
0x42: {  	v3 =	vor.u32 v3, v4  }
0x43: {  	v4 =	vperm.xlane v3, v0;
	_ =	sdelay $0x1  }
0x44: {  	v4 =	vadd.s32 v1, v4;
	_ =	sdelay $0x4  }
0x45: {  	[tilespmem:s30], [sflag:$0x1] =	stream.indirect_vreg.gather [hbm4b:s3+s21], $0x80, v4, vm0, $0xb8;
	[tilespmem:$0x11100] =	vst v63  }
0x46: {  	v3 =	vperm.xlane v3, v2  }
0x47: {  	[tilespmem:s31], [sflag:$0x1] =	stream.indirect_vreg.gather [hbm4b:s11+s21], $0x80, v4, vm0, $0xb8;
	[tilespmem:$0x11100] =	vst v63  }
0x48: {  	v3 =	vadd.s32 v1, v3  }
0x49: {  	[tilespmem:s0], [sflag:$0x1] =	stream.indirect_vreg.gather [hbm4b:s12+s21], $0x80, v4, vm0, $0xb8;
	[tilespmem:$0x11100] =	vst v63  }
0x4a: {  	_ = 	snop  }
0x4b: {  	[tilespmem:s6], [sflag:$0x1] =	stream.indirect_vreg.gather [hbm4b:s13+s21], $0x80, v4, vm0, $0xb8;
	[tilespmem:$0x11100] =	vst v63  }
0x4c: {  	_ = 	snop  }
0x4d: {  	[tilespmem:s14], [sflag:$0x1] =	stream.indirect_vreg.gather [hbm4b:s3+s21], $0x80, v3, vm0, $0xb8;
	[tilespmem:$0x11100] =	vst v63  }
0x4e: {  	_ = 	snop  }
0x4f: {  	[tilespmem:s1], [sflag:$0x1] =	stream.indirect_vreg.gather [hbm4b:s11+s21], $0x80, v3, vm0, $0xb8;
	[tilespmem:$0x11100] =	vst v63  }
0x50: {  	_ = 	snop  }
0x51: {  	[tilespmem:s15], [sflag:$0x1] =	stream.indirect_vreg.gather [hbm4b:s12+s21], $0x80, v3, vm0, $0xb8;
	[tilespmem:$0x11100] =	vst v63  }
0x52: {  	_ = 	snop  }
0x53: {  	[tilespmem:s17], [sflag:$0x1] =	stream.indirect_vreg.gather [hbm4b:s13+s21], $0x80, v3, vm0, $0xb8;
	[tilespmem:$0x11100] =	vst v63  }
0x54: {  	_ =	swait.ge [sflag:s29], $0x4000  }
0x55: {  	[sflag:s29] =	ssyncset.done $0x0  }
0x56: {  	s25 =	sand.u32 $0x70, s21;
	s26 =	sand.u32 $0x1C00, s21;
	[sflag:s29] =	ssyncadd.s32 $0xFFFFC000  }
0x57: {  	s22 =	sor.u32 s25, s26;
	v3 =	vld [tilespmem:$0x10100]  }
0x58: {  	v4 =	vld [tilespmem:s22+$0x4000]  }
0x59: {  	v5 =	vld [tilespmem:s22+$0x0]  }
0x5a: {  	v6 =	vld [tilespmem:$0x10900]  }
0x5b: {  	v7 =	vld [tilespmem:s22+$0x8000];
	_ =	sdelay $0x2  }
0x5c: {  	v3 =	vmul.f32 v5, v3;
	_ =	sdelay $0x1  }
0x5d: {  	v4 =	vmul.f32 v4, v6;
	v3 =	vadd.f32 v3, v7;
	_ =	sdelay $0x1  }
0x5e: {  	v3 =	vadd.f32 v4, v3  }
0x5f: {  	v6 =	vld [tilespmem:s22+$0x8080]  }
0x60: {  	[tilespmem:s22+$0xC000] =	vst v3;
	v3 =	vld [tilespmem:s22+$0x80]  }
0x61: {  	v5 =	vld [tilespmem:$0x10180]  }
0x62: {  	v4 =	vld [tilespmem:s22+$0x4080]  }
0x63: {  	v7 =	vld [tilespmem:$0x10980];
	_ =	sdelay $0x2  }
0x64: {  	v3 =	vmul.f32 v3, v5;
	_ =	sdelay $0x1  }
0x65: {  	v4 =	vmul.f32 v4, v7;
	v3 =	vadd.f32 v3, v6;
	_ =	sdelay $0x1  }
0x66: {  	v3 =	vadd.f32 v4, v3  }
0x67: {  	v6 =	vld [tilespmem:s22+$0x8100]  }
0x68: {  	[tilespmem:s22+$0xC080] =	vst v3;
	v3 =	vld [tilespmem:s22+$0x100]  }
0x69: {  	v5 =	vld [tilespmem:$0x10200]  }
0x6a: {  	v4 =	vld [tilespmem:s22+$0x4100]  }
0x6b: {  	v7 =	vld [tilespmem:$0x10A00];
	_ =	sdelay $0x2  }
0x6c: {  	v3 =	vmul.f32 v3, v5;
	_ =	sdelay $0x1  }
0x6d: {  	v4 =	vmul.f32 v4, v7;
	v3 =	vadd.f32 v3, v6;
	_ =	sdelay $0x1  }
0x6e: {  	v3 =	vadd.f32 v4, v3  }
0x6f: {  	v6 =	vld [tilespmem:s22+$0x8180]  }
0x70: {  	[tilespmem:s22+$0xC100] =	vst v3;
	v3 =	vld [tilespmem:s22+$0x180]  }
0x71: {  	v5 =	vld [tilespmem:$0x10280]  }
0x72: {  	v4 =	vld [tilespmem:s22+$0x4180]  }
0x73: {  	v7 =	vld [tilespmem:$0x10A80];
	_ =	sdelay $0x2  }
0x74: {  	v3 =	vmul.f32 v3, v5;
	_ =	sdelay $0x1  }
0x75: {  	v4 =	vmul.f32 v4, v7;
	v3 =	vadd.f32 v3, v6;
	_ =	sdelay $0x1  }
0x76: {  	v3 =	vadd.f32 v4, v3  }
0x77: {  	v6 =	vld [tilespmem:s22+$0x8200]  }
0x78: {  	[tilespmem:s22+$0xC180] =	vst v3;
	v3 =	vld [tilespmem:s22+$0x200]  }
0x79: {  	v5 =	vld [tilespmem:$0x10300]  }
0x7a: {  	v4 =	vld [tilespmem:s22+$0x4200]  }
0x7b: {  	v7 =	vld [tilespmem:$0x10B00];
	_ =	sdelay $0x2  }
0x7c: {  	v3 =	vmul.f32 v3, v5;
	_ =	sdelay $0x1  }
0x7d: {  	v4 =	vmul.f32 v4, v7;
	v3 =	vadd.f32 v3, v6;
	_ =	sdelay $0x1  }
0x7e: {  	v3 =	vadd.f32 v4, v3  }
0x7f: {  	v6 =	vld [tilespmem:s22+$0x8280]  }
0x80: {  	[tilespmem:s22+$0xC200] =	vst v3;
	v3 =	vld [tilespmem:s22+$0x280]  }
0x81: {  	v5 =	vld [tilespmem:$0x10380]  }
0x82: {  	v4 =	vld [tilespmem:s22+$0x4280]  }
0x83: {  	v7 =	vld [tilespmem:$0x10B80];
	_ =	sdelay $0x2  }
0x84: {  	v3 =	vmul.f32 v3, v5;
	_ =	sdelay $0x1  }
0x85: {  	v4 =	vmul.f32 v4, v7;
	v3 =	vadd.f32 v3, v6;
	_ =	sdelay $0x1  }
0x86: {  	v3 =	vadd.f32 v4, v3  }
0x87: {  	v6 =	vld [tilespmem:s22+$0x8300]  }
0x88: {  	[tilespmem:s22+$0xC280] =	vst v3;
	v3 =	vld [tilespmem:s22+$0x300]  }
0x89: {  	v5 =	vld [tilespmem:$0x10400]  }
0x8a: {  	v4 =	vld [tilespmem:s22+$0x4300]  }
0x8b: {  	v7 =	vld [tilespmem:$0x10C00];
	_ =	sdelay $0x2  }
0x8c: {  	v3 =	vmul.f32 v3, v5;
	_ =	sdelay $0x1  }
0x8d: {  	v4 =	vmul.f32 v4, v7;
	v3 =	vadd.f32 v3, v6;
	_ =	sdelay $0x1  }
0x8e: {  	v3 =	vadd.f32 v4, v3;
	_ =	sdelay $0x1  }
0x8f: {  	[tilespmem:s22+$0xC300] =	vst v3  }
0x90: {  	s24 =	sor.u32 s21, s21;
	v3 =	vld [tilespmem:$0x10C80]  }
0x91: {  	s28 =	sor.u32 $0x380, s24;
	v4 =	vld [tilespmem:$0x10480]  }
0x92: {  	v5 =	vld [tilespmem:s28+$0x0]  }
0x93: {  	v6 =	vld [tilespmem:s28+$0x4000]  }
0x94: {  	v7 =	vld [tilespmem:s28+$0x8000];
	_ =	sdelay $0x2  }
0x95: {  	v4 =	vmul.f32 v5, v4;
	_ =	sdelay $0x1  }
0x96: {  	v3 =	vmul.f32 v6, v3;
	v4 =	vadd.f32 v4, v7;
	_ =	sdelay $0x1  }
0x97: {  	v3 =	vadd.f32 v3, v4;
	_ =	sdelay $0x1  }
0x98: {  	[tilespmem:s28+$0xC000] =	vst v3  }
0x99: {  	v3 =	vld [tilespmem:s22+$0x6000]  }
0x9a: {  	v4 =	vld [tilespmem:s22+$0x2000]  }
0x9b: {  	v5 =	vld [tilespmem:$0x10500]  }
0x9c: {  	v6 =	vld [tilespmem:$0x10D00]  }
0x9d: {  	v7 =	vld [tilespmem:s22+$0xA000];
	_ =	sdelay $0x2  }
0x9e: {  	v4 =	vmul.f32 v4, v5;
	_ =	sdelay $0x1  }
0x9f: {  	v3 =	vmul.f32 v3, v6;
	v4 =	vadd.f32 v4, v7;
	_ =	sdelay $0x1  }
0xa0: {  	v3 =	vadd.f32 v3, v4  }
0xa1: {  	v7 =	vld [tilespmem:s22+$0xA080]  }
0xa2: {  	[tilespmem:s22+$0xE000] =	vst v3;
	v3 =	vld [tilespmem:s22+$0x2080]  }
0xa3: {  	v5 =	vld [tilespmem:$0x10580]  }
0xa4: {  	v4 =	vld [tilespmem:s22+$0x6080]  }
0xa5: {  	v6 =	vld [tilespmem:$0x10D80];
	_ =	sdelay $0x2  }
0xa6: {  	v3 =	vmul.f32 v3, v5;
	_ =	sdelay $0x1  }
0xa7: {  	v4 =	vmul.f32 v4, v6;
	v3 =	vadd.f32 v3, v7;
	_ =	sdelay $0x1  }
0xa8: {  	v3 =	vadd.f32 v4, v3  }
0xa9: {  	v7 =	vld [tilespmem:s22+$0xA100]  }
0xaa: {  	[tilespmem:s22+$0xE080] =	vst v3;
	v3 =	vld [tilespmem:s22+$0x2100]  }
0xab: {  	v5 =	vld [tilespmem:$0x10600]  }
0xac: {  	v4 =	vld [tilespmem:s22+$0x6100]  }
0xad: {  	v6 =	vld [tilespmem:$0x10E00];
	_ =	sdelay $0x2  }
0xae: {  	v3 =	vmul.f32 v3, v5;
	_ =	sdelay $0x1  }
0xaf: {  	v4 =	vmul.f32 v4, v6;
	v3 =	vadd.f32 v3, v7;
	_ =	sdelay $0x1  }
0xb0: {  	v3 =	vadd.f32 v4, v3  }
0xb1: {  	v7 =	vld [tilespmem:s22+$0xA180]  }
0xb2: {  	[tilespmem:s22+$0xE100] =	vst v3;
	v3 =	vld [tilespmem:s22+$0x2180]  }
0xb3: {  	v5 =	vld [tilespmem:$0x10680]  }
0xb4: {  	v4 =	vld [tilespmem:s22+$0x6180]  }
0xb5: {  	v6 =	vld [tilespmem:$0x10E80];
	_ =	sdelay $0x2  }
0xb6: {  	v3 =	vmul.f32 v3, v5;
	_ =	sdelay $0x1  }
0xb7: {  	v4 =	vmul.f32 v4, v6;
	v3 =	vadd.f32 v3, v7;
	_ =	sdelay $0x1  }
0xb8: {  	v4 =	vadd.f32 v4, v3  }
0xb9: {  	v7 =	vld [tilespmem:s22+$0xA200]  }
0xba: {  	[tilespmem:s22+$0xE180] =	vst v4;
	v4 =	vld [tilespmem:s22+$0x2200]  }
0xbb: {  	v6 =	vld [tilespmem:$0x10700]  }
0xbc: {  	v3 =	vld [tilespmem:s22+$0x6200]  }
0xbd: {  	s23 =	simm.s32 $0x10;
	v5 =	vld [tilespmem:$0x10F00]  }
.LBB2_3:
0xbe: {  	p0 =	sne.s32 s23, $0x3F0  }
0xbf: {  	s21 =	sadd.s32 $0x80, s21;
	s25 =	smov.u32 s23;
	s23 =	sadd.s32 $0x10, s23  }
0xc0: {  	v4 =	vmul.f32 v4, v6;
	_ =	sdelay $0x1  }
0xc1: {  	v3 =	vmul.f32 v3, v5;
	v4 =	vadd.f32 v4, v7;
	_ =	sdelay $0x1  }
0xc2: {  	v3 =	vadd.f32 v3, v4  }
0xc3: {  	v4 =	vld [tilespmem:s22+$0x6280]  }
0xc4: {  	[tilespmem:s22+$0xE200] =	vst v3;
	v3 =	vld [tilespmem:s22+$0x2280]  }
0xc5: {  	s26 =	sand.u32 $0x70, s25;
	s28 =	sand.u32 $0x1C00, s21;
	v5 =	vld [tilespmem:$0x10780]  }
0xc6: {  	s26 =	sor.u32 s26, s28;
	v6 =	vld [tilespmem:$0x10F80]  }
0xc7: {  	v7 =	vld [tilespmem:s22+$0xA280];
	_ =	sdelay $0x2  }
0xc8: {  	v3 =	vmul.f32 v3, v5;
	_ =	sdelay $0x1  }
0xc9: {  	v4 =	vmul.f32 v4, v6;
	v3 =	vadd.f32 v3, v7;
	_ =	sdelay $0x1  }
0xca: {  	v3 =	vadd.f32 v4, v3  }
0xcb: {  	v4 =	vld [tilespmem:s22+$0x6300]  }
0xcc: {  	[tilespmem:s22+$0xE280] =	vst v3;
	v3 =	vld [tilespmem:s22+$0x2300]  }
0xcd: {  	v5 =	vld [tilespmem:$0x10800]  }
0xce: {  	v6 =	vld [tilespmem:$0x11000]  }
0xcf: {  	v7 =	vld [tilespmem:s22+$0xA300];
	_ =	sdelay $0x2  }
0xd0: {  	v3 =	vmul.f32 v3, v5;
	_ =	sdelay $0x1  }
0xd1: {  	v4 =	vmul.f32 v4, v6;
	v3 =	vadd.f32 v3, v7;
	_ =	sdelay $0x1  }
0xd2: {  	v3 =	vadd.f32 v4, v3;
	_ =	sdelay $0x1  }
0xd3: {  	s24 =	sor.u32 $0x2380, s24;
	[tilespmem:s22+$0xE300] =	vst v3;
	s22 =	smov.u32 s26  }
0xd4: {  	v3 =	vld [tilespmem:s24+$0x4000]  }
0xd5: {  	v4 =	vld [tilespmem:$0x10880]  }
0xd6: {  	v5 =	vld [tilespmem:s24+$0x0]  }
0xd7: {  	v6 =	vld [tilespmem:$0x11080]  }
0xd8: {  	v7 =	vld [tilespmem:s24+$0x8000];
	_ =	sdelay $0x2  }
0xd9: {  	v4 =	vmul.f32 v5, v4  }
0xda: {  	v3 =	vmul.f32 v3, v6  }
0xdb: {  	v4 =	vadd.f32 v4, v7;
	_ =	sdelay $0x1  }
0xdc: {  	v3 =	vadd.f32 v3, v4;
	_ =	sdelay $0x1  }
0xdd: {  	[tilespmem:s24+$0xC000] =	vst v3;
	_ =	sdelay $0x1  }
0xde: {  	v3 =	vld [tilespmem:$0x10100]  }
0xdf: {  	v4 =	vld [tilespmem:s22+$0x4000]  }
0xe0: {  	v5 =	vld [tilespmem:s22+$0x0]  }
0xe1: {  	v6 =	vld [tilespmem:$0x10900]  }
0xe2: {  	v7 =	vld [tilespmem:s22+$0x8000];
	_ =	sdelay $0x2  }
0xe3: {  	v3 =	vmul.f32 v5, v3;
	_ =	sdelay $0x1  }
0xe4: {  	v4 =	vmul.f32 v4, v6;
	v3 =	vadd.f32 v3, v7;
	_ =	sdelay $0x1  }
0xe5: {  	v3 =	vadd.f32 v4, v3  }
0xe6: {  	v4 =	vld [tilespmem:s22+$0x4080]  }
0xe7: {  	[tilespmem:s22+$0xC000] =	vst v3;
	v3 =	vld [tilespmem:s22+$0x80]  }
0xe8: {  	v5 =	vld [tilespmem:$0x10180]  }
0xe9: {  	v6 =	vld [tilespmem:s22+$0x8080]  }
0xea: {  	v7 =	vld [tilespmem:$0x10980];
	_ =	sdelay $0x2  }
0xeb: {  	v3 =	vmul.f32 v3, v5;
	_ =	sdelay $0x1  }
0xec: {  	v3 =	vadd.f32 v3, v6;
	v4 =	vmul.f32 v4, v7;
	_ =	sdelay $0x1  }
0xed: {  	v3 =	vadd.f32 v4, v3  }
0xee: {  	v4 =	vld [tilespmem:s22+$0x4100]  }
0xef: {  	[tilespmem:s22+$0xC080] =	vst v3;
	v3 =	vld [tilespmem:s22+$0x100]  }
0xf0: {  	v5 =	vld [tilespmem:$0x10200]  }
0xf1: {  	v6 =	vld [tilespmem:s22+$0x8100]  }
0xf2: {  	v7 =	vld [tilespmem:$0x10A00];
	_ =	sdelay $0x2  }
0xf3: {  	v3 =	vmul.f32 v3, v5;
	_ =	sdelay $0x1  }
0xf4: {  	v3 =	vadd.f32 v3, v6;
	v4 =	vmul.f32 v4, v7;
	_ =	sdelay $0x1  }
0xf5: {  	v3 =	vadd.f32 v4, v3  }
0xf6: {  	v4 =	vld [tilespmem:s22+$0x4180]  }
0xf7: {  	[tilespmem:s22+$0xC100] =	vst v3;
	v3 =	vld [tilespmem:s22+$0x180]  }
0xf8: {  	v5 =	vld [tilespmem:$0x10280]  }
0xf9: {  	v6 =	vld [tilespmem:s22+$0x8180]  }
0xfa: {  	v7 =	vld [tilespmem:$0x10A80];
	_ =	sdelay $0x2  }
0xfb: {  	v3 =	vmul.f32 v3, v5;
	_ =	sdelay $0x1  }
0xfc: {  	v3 =	vadd.f32 v3, v6;
	v4 =	vmul.f32 v4, v7;
	_ =	sdelay $0x1  }
0xfd: {  	v3 =	vadd.f32 v4, v3  }
0xfe: {  	v4 =	vld [tilespmem:s22+$0x4200]  }
0xff: {  	[tilespmem:s22+$0xC180] =	vst v3;
	v3 =	vld [tilespmem:s22+$0x200]  }
0x100: {  	v5 =	vld [tilespmem:$0x10300]  }
0x101: {  	v6 =	vld [tilespmem:s22+$0x8200]  }
0x102: {  	v7 =	vld [tilespmem:$0x10B00];
	_ =	sdelay $0x2  }
0x103: {  	v3 =	vmul.f32 v3, v5;
	_ =	sdelay $0x1  }
0x104: {  	v3 =	vadd.f32 v3, v6;
	v4 =	vmul.f32 v4, v7;
	_ =	sdelay $0x1  }
0x105: {  	v3 =	vadd.f32 v4, v3  }
0x106: {  	v4 =	vld [tilespmem:s22+$0x4280]  }
0x107: {  	[tilespmem:s22+$0xC200] =	vst v3;
	v3 =	vld [tilespmem:s22+$0x280]  }
0x108: {  	v5 =	vld [tilespmem:$0x10380]  }
0x109: {  	v6 =	vld [tilespmem:s22+$0x8280]  }
0x10a: {  	v7 =	vld [tilespmem:$0x10B80];
	_ =	sdelay $0x2  }
0x10b: {  	v3 =	vmul.f32 v3, v5;
	_ =	sdelay $0x1  }
0x10c: {  	v3 =	vadd.f32 v3, v6;
	v4 =	vmul.f32 v4, v7;
	_ =	sdelay $0x1  }
0x10d: {  	v3 =	vadd.f32 v4, v3  }
0x10e: {  	v4 =	vld [tilespmem:s22+$0x4300]  }
0x10f: {  	[tilespmem:s22+$0xC280] =	vst v3;
	v3 =	vld [tilespmem:s22+$0x300]  }
0x110: {  	v5 =	vld [tilespmem:$0x10400]  }
0x111: {  	v6 =	vld [tilespmem:s22+$0x8300]  }
0x112: {  	v7 =	vld [tilespmem:$0x10C00];
	_ =	sdelay $0x2  }
0x113: {  	v3 =	vmul.f32 v3, v5;
	_ =	sdelay $0x1  }
0x114: {  	v3 =	vadd.f32 v3, v6;
	v4 =	vmul.f32 v4, v7;
	_ =	sdelay $0x1  }
0x115: {  	v3 =	vadd.f32 v4, v3;
	_ =	sdelay $0x1  }
0x116: {  	[tilespmem:s22+$0xC300] =	vst v3  }
0x117: {  	s24 =	sor.u32 s25, s21;
	v3 =	vld [tilespmem:$0x10C80]  }
0x118: {  	s25 =	sor.u32 $0x380, s24;
	v4 =	vld [tilespmem:$0x10480]  }
0x119: {  	v5 =	vld [tilespmem:s25+$0x0]  }
0x11a: {  	v6 =	vld [tilespmem:s25+$0x4000]  }
0x11b: {  	v7 =	vld [tilespmem:s25+$0x8000];
	_ =	sdelay $0x2  }
0x11c: {  	v4 =	vmul.f32 v5, v4  }
0x11d: {  	v3 =	vmul.f32 v6, v3  }
0x11e: {  	v4 =	vadd.f32 v4, v7;
	_ =	sdelay $0x1  }
0x11f: {  	v3 =	vadd.f32 v3, v4;
	_ =	sdelay $0x1  }
0x120: {  	[tilespmem:s25+$0xC000] =	vst v3  }
0x121: {  	v3 =	vld [tilespmem:s22+$0x6000]  }
0x122: {  	v4 =	vld [tilespmem:s22+$0x2000]  }
0x123: {  	v5 =	vld [tilespmem:$0x10500]  }
0x124: {  	v6 =	vld [tilespmem:$0x10D00]  }
0x125: {  	v7 =	vld [tilespmem:s22+$0xA000];
	_ =	sdelay $0x2  }
0x126: {  	v4 =	vmul.f32 v4, v5  }
0x127: {  	v3 =	vmul.f32 v3, v6  }
0x128: {  	v4 =	vadd.f32 v4, v7;
	_ =	sdelay $0x1  }
0x129: {  	v3 =	vadd.f32 v3, v4  }
0x12a: {  	v4 =	vld [tilespmem:s22+$0x6080]  }
0x12b: {  	[tilespmem:s22+$0xE000] =	vst v3;
	v3 =	vld [tilespmem:s22+$0x2080]  }
0x12c: {  	v5 =	vld [tilespmem:$0x10580]  }
0x12d: {  	v6 =	vld [tilespmem:$0x10D80]  }
0x12e: {  	v7 =	vld [tilespmem:s22+$0xA080];
	_ =	sdelay $0x2  }
0x12f: {  	v3 =	vmul.f32 v3, v5;
	_ =	sdelay $0x1  }
0x130: {  	v4 =	vmul.f32 v4, v6;
	v3 =	vadd.f32 v3, v7;
	_ =	sdelay $0x1  }
0x131: {  	v3 =	vadd.f32 v4, v3  }
0x132: {  	v4 =	vld [tilespmem:s22+$0x6100]  }
0x133: {  	[tilespmem:s22+$0xE080] =	vst v3;
	v3 =	vld [tilespmem:s22+$0x2100]  }
0x134: {  	v5 =	vld [tilespmem:$0x10600]  }
0x135: {  	v6 =	vld [tilespmem:$0x10E00]  }
0x136: {  	v7 =	vld [tilespmem:s22+$0xA100];
	_ =	sdelay $0x2  }
0x137: {  	v3 =	vmul.f32 v3, v5;
	_ =	sdelay $0x1  }
0x138: {  	v4 =	vmul.f32 v4, v6;
	v3 =	vadd.f32 v3, v7;
	_ =	sdelay $0x1  }
0x139: {  	v3 =	vadd.f32 v4, v3  }
0x13a: {  	v4 =	vld [tilespmem:s22+$0x6180]  }
0x13b: {  	[tilespmem:s22+$0xE100] =	vst v3;
	v3 =	vld [tilespmem:s22+$0x2180]  }
0x13c: {  	v5 =	vld [tilespmem:$0x10680]  }
0x13d: {  	v6 =	vld [tilespmem:$0x10E80]  }
0x13e: {  	v7 =	vld [tilespmem:s22+$0xA180];
	_ =	sdelay $0x2  }
0x13f: {  	v3 =	vmul.f32 v3, v5;
	_ =	sdelay $0x1  }
0x140: {  	v4 =	vmul.f32 v4, v6;
	v3 =	vadd.f32 v3, v7;
	_ =	sdelay $0x1  }
0x141: {  	v4 =	vadd.f32 v4, v3  }
.Ltmp0:
0x142: {  	v3 =	vld [tilespmem:s22+$0x6200];
	(pc) =	sbr.rel @p0 .LBB2_3-.Ltmp0, $4  }
0x143: {  	[tilespmem:s22+$0xE180] =	vst v4;
	v4 =	vld [tilespmem:s22+$0x2200]  }
0x144: {  	v6 =	vld [tilespmem:$0x10700]  }
0x145: {  	v5 =	vld [tilespmem:$0x10F00]  }
0x146: {  	v7 =	vld [tilespmem:s22+$0xA200]  }
0x147: {  	_ =	sdelay $0x1  }
0x148: {  	v4 =	vmul.f32 v4, v6;
	_ =	sdelay $0x1  }
0x149: {  	v3 =	vmul.f32 v3, v5;
	v4 =	vadd.f32 v4, v7;
	_ =	sdelay $0x1  }
0x14a: {  	v3 =	vadd.f32 v3, v4  }
0x14b: {  	v52 =	vld [tilespmem:s22+$0x6280]  }
0x14c: {  	[tilespmem:s22+$0xE200] =	vst v3;
	v3 =	vld [tilespmem:s22+$0x2280]  }
0x14d: {  	v53 =	vld [tilespmem:$0x10780]  }
0x14e: {  	v55 =	vld [tilespmem:s22+$0xA280]  }
0x14f: {  	v54 =	vld [tilespmem:$0x10F80];
	_ =	sdelay $0x2  }
0x150: {  	v3 =	vmul.f32 v3, v53;
	_ =	sdelay $0x1  }
0x151: {  	v4 =	vmul.f32 v52, v54;
	v3 =	vadd.f32 v3, v55;
	_ =	sdelay $0x1  }
0x152: {  	v3 =	vadd.f32 v4, v3  }
0x153: {  	v56 =	vld [tilespmem:s22+$0x6300]  }
0x154: {  	[tilespmem:s22+$0xE280] =	vst v3;
	v3 =	vld [tilespmem:s22+$0x2300]  }
0x155: {  	v57 =	vld [tilespmem:$0x10800]  }
0x156: {  	v59 =	vld [tilespmem:s22+$0xA300]  }
0x157: {  	v58 =	vld [tilespmem:$0x11000];
	_ =	sdelay $0x2  }
0x158: {  	v3 =	vmul.f32 v3, v57;
	_ =	sdelay $0x1  }
0x159: {  	v4 =	vmul.f32 v56, v58;
	v3 =	vadd.f32 v3, v59;
	_ =	sdelay $0x1  }
0x15a: {  	v3 =	vadd.f32 v4, v3;
	_ =	sdelay $0x1  }
0x15b: {  	s21 =	sor.u32 $0x2380, s24;
	[tilespmem:s22+$0xE300] =	vst v3  }
0x15c: {  	v3 =	vld [tilespmem:s21+$0x4000]  }
0x15d: {  	v60 =	vld [tilespmem:$0x10880]  }
0x15e: {  	v61 =	vld [tilespmem:s21+$0x0]  }
0x15f: {  	v62 =	vld [tilespmem:$0x11080]  }
0x160: {  	v63 =	vld [tilespmem:s21+$0x8000];
	_ =	sdelay $0x2  }
0x161: {  	v4 =	vmul.f32 v61, v60;
	_ =	sdelay $0x1  }
0x162: {  	v3 =	vmul.f32 v3, v62;
	v4 =	vadd.f32 v4, v63;
	_ =	sdelay $0x1  }
0x163: {  	s19 =	sadd.s32 $0x1, s19;
	v3 =	vadd.f32 v3, v4  }
0x164: {  	p0 =	sne.s32 s19, $0x4  }
.Ltmp1:
0x165: {  	s20 =	sadd.s32 s9, s20;
	s28 =	simm.s32 $0x0;
	[tilespmem:s21+$0xC000] =	vst v3;
	(pc) =	sbr.rel @p0 .LBB2_2-.Ltmp1, $4  }
0x166: {  	[hbm4b:s20+s28] =	stream.linear.scatter [tilespmem:s18], [sflag:$0x2], $0x4000, $0x38;
	[tilespmem:$0x11100] =	vst v63  }
0x167: {  	_ =	swait.ge [sflag:s16], $0x4000  }
0x168: {  	[sflag:s16] =	ssyncset.done $0x0  }
0x169: {  	[sflag:s16] =	ssyncadd.s32 $0xFFFFC000  }
0x16a: {  	s20 =	rddreg [dreg:$0x3]  }
0x16b: {  	s19 =	rddreg [dreg:$0x2];
	s20 =	sadd.s32 $0x1, s20  }
0x16c: {  	p0 =	sne.s32 s20, s19  }
.Ltmp2:
0x16d: {  	_ = 	snop;
	(pc) =	sbr.rel @p0 .LBB2_1-.Ltmp2, $1  }
0x16e: {  	_ =	sdelay $0x3  }
0x16f: {  	_ =	sfence.sel $0x180000  }
0x170: {  	[bflag:$0x0] =	sbarrier.arrive $0xFFFF  }
0x171: {  	_ =	strace $0x9000004A  }
0x172: {  	s0 =	stileid.u32;
	[bflag:$0x2] =	sbarrier.arrive $0xFFFF  }
0x173: {  	p0 =	sne.s32 s0, $0x0;
	s0 =	rddreg [dreg:$0x1]  }
0x174: {  	s0 =	sadd.s32 @!p0 $0x100000, s0  }
0x175: {  	[sflag:s0] =	ssyncadd.tile.s32 @!p0 $0x1;
	_ =	shalt  }
.Lfunc_end2:
_tile_overlayer_lowered:
.L_overlay_start_2:
0x176: {  	(tag) =	ssettag $0x2  }
0x177: {  	s0 =	rddreg [dreg:$0x0];
	s2 =	stileid.u32  }
0x178: {  	s1 =	rddreg [dreg:$0x1];
	p0 =	sne.s32 s2, $0x0  }
0x179: {  	s3 =	rddreg [dreg:$0x2];
	[bflag:$0x3] =	sbarrier.arrive $0xFFFF;
	s2 =	simm.s32 @!p0 $0x1C02  }
0x17a: {  	[timem:s3], [sflag:s2] =	dma.local @!p0 [hbm:s0], s1  }
0x17b: {  	s0 =	simm.s32 @!p0 $0x2  }
0x17c: {  	_ =	swait.ge @!p0 [sflag:s0], s1  }
0x17d: {  	s1 =	ssub.s32 @!p0 $0x0, s1;
	[sflag:s0] =	ssyncset.done @!p0 $0x0  }
0x17e: {  	[sflag:s0] =	ssyncadd.s32 @!p0 s1  }
0x17f: {  	[bflag:$0x3] =	sbarrier.arrive $0xFFFF  }
0x180: {  	_ =	shalt  }

// kernel: kernel.9.cloned.1.call-start
scs
__scs_entry_jumppad:
0x0: {  	(pc) =	sbr.rel $0x88, $3  }
0x1: {  	(tag) =	ssettag $0x0;
	lr =	simm.s32 $0x1  }
0x2: {  	[smem:$0x3F97] =	sst lr;
	_ =	strace $0xD0000000  }
0x3: {  	_ = 	snop  }
0x4: {  	_ = 	snop  }
0x5: {  	_ = 	snop  }
0x6: {  	_ = 	snop  }
0x7: {  	_ = 	snop  }
__scs_overlays_trampoline_lowered:
0x8: {  	[smem:$0x3FA6] =	sst s0  }
0x9: {  	[smem:$0x3FA7] =	sst s1  }
0xa: {  	[smem:$0x3FA8] =	sst s2  }
0xb: {  	[smem:$0x3FA9] =	sst s3  }
0xc: {  	[smem:$0x3FAA] =	sst s4  }
0xd: {  	[smem:$0x3FAB] =	sst s5  }
0xe: {  	[smem:$0x3FAC] =	sst s6  }
0xf: {  	[smem:$0x3FAD] =	sst s7  }
0x10: {  	[smem:$0x3FAE] =	sst s8  }
0x11: {  	[smem:$0x3FAF] =	sst s9;
	s0 =	simm.s32 @!p0 $0x0  }
0x12: {  	s1 =	sld [smem:$0x3F95];
	s0 =	simm.s32 @p0 $0x1  }
0x13: {  	[smem:$0x3FB0] =	sst s0;
	s0 =	simm.s32 @!p1 $0x0  }
0x14: {  	s2 =	sld [smem:$0x3F94];
	s0 =	simm.s32 @p1 $0x1  }
0x15: {  	[smem:$0x3FB1] =	sst s0;
	s0 =	simm.s32 @!p2 $0x0  }
0x16: {  	s3 =	sld [smem:$0x3FDB];
	s0 =	simm.s32 @p2 $0x1  }
0x17: {  	s4 =	simm.s32 $0x1BF5;
	[smem:$0x3FB3] =	sst s0  }
0x18: {  	s0 =	sld [smem:$0x3F96];
	_ =	swait.ge [sflag:s4], $0x0  }
0x19: {  	s7 =	sld [smem:$0x3F97]  }
0x1a: {  	s8 =	sadd.s32 $0xFFFFE003, lr  }
0x1b: {  	s9 =	sadd.s32 $0xFFFFFEF7, lr;
	s5 =	simm.s32 $0xFFFFFFFF;
	p2 =	slt.u32 s8, $0xFFFFF086  }
0x1c: {  	p1 =	slt.u32 s9, $0xF7A;
	s5 =	simm.s32 @!p2 $0x0  }
0x1d: {  	s5 =	simm.s32 @p1 $0x1;
	p0 =	seq.s32 s7, s2  }
0x1e: {  	s7 =	smul.u32 @!p0 $0xF7A, s2;
	p2 =	seq.s32 @!p0 s5, $0x0  }
0x1f: {  	s9 =	smul.u32 $0xF7A, s1;
	s8 =	simm.s32 @!p0 $0x1BF5;
	p2 =	por !p2, p0  }
0x20: {  	[sflag:s8] =	ssyncset.s32 @!p0 $0xFFFFF086;
	s6 =	sadd.s32 @!p0 s3, s7;
	s7 =	simm.s32 @!p0 $0x108  }
0x21: {  	s3 =	sadd.s32 s3, s9;
	s6 =	sadd.s32 @!p0 $0x88, s6;
	s7 =	simm.s32 @p2 $0x1082  }
0x22: {  	[simem:s7], [sflag:s8] =	dma.local @!p0 [hbm:s6], $0xF7A  }
0x23: {  	s9 =	sor.u32 $0xD0000000, s2;
	s6 =	simm.s32 $0x108;
	_ =	swait.ge @!p0 [sflag:s8], $0x0  }
0x24: {  	s3 =	sadd.s32 $0x88, s3;
	s6 =	simm.s32 @!p1 $0x1082;
	[sflag:s4] =	ssyncset.s32 $0xFFFFF086  }
0x25: {  	[simem:s6], [sflag:s4] =	dma.local [hbm:s3], $0xF7A  }
0x26: {  	[smem:$0x3F97] =	sst s1;
	(tag) =	ssettag s2;
	_ =	strace s9  }
0x27: {  	s1 =	sld [smem:$0x3FA7]  }
0x28: {  	s2 =	sld [smem:$0x3FA8]  }
0x29: {  	s4 =	sld [smem:$0x3FAA]  }
0x2a: {  	p0 =	seq.s32 s5, $0x0;
	s5 =	sld [smem:$0x3FAB]  }
0x2b: {  	s6 =	sld [smem:$0x3FAC]  }
0x2c: {  	s7 =	sld [smem:$0x3FAD]  }
0x2d: {  	s3 =	simm.s32 $0x108;
	s8 =	sld [smem:$0x3FAE]  }
0x2e: {  	s3 =	simm.s32 @!p0 $0x1082;
	s9 =	sld [smem:$0x3FAF]  }
0x2f: {  	lr =	sadd.s32 s0, s3;
	s0 =	sld [smem:$0x3FA6]  }
0x30: {  	s3 =	sld [smem:$0x3FA9]  }
0x31: {  	[smem:$0x3FB2] =	sst s10  }
0x32: {  	s10 =	sld [smem:$0x3FB0];
	_ =	sdelay $0x3  }
0x33: {  	p0 =	seq.s32 s10, $0x1;
	s10 =	sld [smem:$0x3FB2];
	_ =	sdelay $0x3  }
0x34: {  	[smem:$0x3FB2] =	sst s10  }
0x35: {  	s10 =	sld [smem:$0x3FB1];
	_ =	sdelay $0x3  }
0x36: {  	p1 =	seq.s32 s10, $0x1;
	s10 =	sld [smem:$0x3FB2];
	_ =	sdelay $0x3  }
0x37: {  	[smem:$0x3FB2] =	sst s10  }
0x38: {  	s10 =	sld [smem:$0x3FB3]  }
0x39: {  	_ = 	snop;
	(pc) =	sbr.ind lr, $3  }
0x3a: {  	_ = 	snop  }
0x3b: {  	_ = 	snop  }
0x3c: {  	p2 =	seq.s32 s10, $0x1;
	s10 =	sld [smem:$0x3FB2]  }
0x3d: {  	_ =	shalt  }
0x3e: {  	_ =	shalt  }
0x3f: {  	_ =	shalt  }
0x40: {  	_ =	shalt  }
0x41: {  	_ =	shalt  }
0x42: {  	_ =	shalt  }
0x43: {  	_ =	shalt  }
0x44: {  	_ =	shalt  }
0x45: {  	_ =	shalt  }
0x46: {  	_ =	shalt  }
0x47: {  	_ =	shalt  }
0x48: {  	_ =	shalt  }
0x49: {  	_ =	shalt  }
0x4a: {  	_ =	shalt  }
0x4b: {  	_ =	shalt  }
0x4c: {  	_ =	shalt  }
0x4d: {  	_ =	shalt  }
0x4e: {  	_ =	shalt  }
0x4f: {  	_ =	shalt  }
0x50: {  	_ =	shalt  }
0x51: {  	_ =	shalt  }
0x52: {  	_ =	shalt  }
0x53: {  	_ =	shalt  }
0x54: {  	_ =	shalt  }
0x55: {  	_ =	shalt  }
0x56: {  	_ =	shalt  }
0x57: {  	_ =	shalt  }
0x58: {  	_ =	shalt  }
0x59: {  	_ =	shalt  }
0x5a: {  	_ =	shalt  }
0x5b: {  	_ =	shalt  }
0x5c: {  	_ =	shalt  }
0x5d: {  	_ =	shalt  }
0x5e: {  	_ =	shalt  }
0x5f: {  	_ =	shalt  }
0x60: {  	_ =	shalt  }
0x61: {  	_ =	shalt  }
0x62: {  	_ =	shalt  }
0x63: {  	_ =	shalt  }
0x64: {  	_ =	shalt  }
0x65: {  	_ =	shalt  }
0x66: {  	_ =	shalt  }
0x67: {  	_ =	shalt  }
0x68: {  	_ =	shalt  }
0x69: {  	_ =	shalt  }
0x6a: {  	_ =	shalt  }
0x6b: {  	_ =	shalt  }
0x6c: {  	_ =	shalt  }
0x6d: {  	_ =	shalt  }
0x6e: {  	_ =	shalt  }
0x6f: {  	_ =	shalt  }
0x70: {  	_ =	shalt  }
0x71: {  	_ =	shalt  }
0x72: {  	_ =	shalt  }
0x73: {  	_ =	shalt  }
0x74: {  	_ =	shalt  }
0x75: {  	_ =	shalt  }
0x76: {  	_ =	shalt  }
0x77: {  	_ =	shalt  }
0x78: {  	_ =	shalt  }
0x79: {  	_ =	shalt  }
0x7a: {  	_ =	shalt  }
0x7b: {  	_ =	shalt  }
0x7c: {  	_ =	shalt  }
0x7d: {  	_ =	shalt  }
0x7e: {  	_ =	shalt  }
0x7f: {  	_ =	shalt  }
0x80: {  	_ =	shalt  }
0x81: {  	_ =	shalt  }
0x82: {  	_ =	shalt  }
0x83: {  	_ =	shalt  }
0x84: {  	_ =	shalt  }
0x85: {  	_ =	shalt  }
0x86: {  	_ =	shalt  }
0x87: {  	_ =	shalt  }
.Lfunc_end0:
.L_simem_size_0:
called_computation_lowered:
.L_overlay_start_0:
0x88: {  	s2 =	sld [smem:$0x3FD9]  }
0x89: {  	s3 =	sld [smem:$0x3FFE];
	_ =	sdelay $0x1  }
0x8a: {  	s1 =	srdreg.scid  }
0x8b: {  	s0 =	sand.u32 $0x1, s1  }
0x8c: {  	s17 =	sshll.u32 s0, $0xA;
	s2 =	sadd.s32 s3, s2  }
0x8d: {  	s2 =	sadd.s32 s2, s17  }
0x8e: {  	[smem:$0x3FBE] =	sst s2  }
0x8f: {  	_ = 	snop  }
0x90: {  	s2 =	sld [smem:$0x3FD0];
	(tm) =	ssettm $0x1  }
0x91: {  	s18 =	sld [smem:$0x3FFB];
	_ =	sdelay $0x3  }
0x92: {  	_ =	strace s18  }
0x93: {  	s3 =	sld [smem:$0x3FFC];
	_ =	sdelay $0x3  }
0x94: {  	_ =	strace s3  }
0x95: {  	s3 =	sld [smem:$0x3FFD];
	_ =	sdelay $0x3  }
0x96: {  	_ =	strace s3  }
0x97: {  	_ =	strace $0x8FFFFFFF  }
0x98: {  	s19 =	sld [smem:$0x3FDB];
	_ =	sdelay $0x1  }
0x99: {  	s4 =	simm.s32 $_scs_section_size  }
0x9a: {  	s5 =	simm.s32 $_size__tile_overlayer_lowered;
	s6 =	simm.s32 $_tile_overlayer_lowered  }
0x9b: {  	s22 =	simm.s32 $0x1BFF;
	s21 =	sshll.u32 s6, $0x1;
	s3 =	sadd.s32 s4, s19  }
0x9c: {  	s7 =	simm.s32 $0x0;
	s20 =	sshll.u32 s5, $0x1;
	s5 =	sadd.s32 s21, s3  }
0x9d: {  	[timem:s7], [sflag:s22] =	dma.local [hbm:s5], s20  }
0x9e: {  	_ =	swait.ge [sflag:s22], s20  }
0x9f: {  	s4 =	ssub.s32 $0x0, s20;
	[sflag:s22] =	ssyncset.done $0x0  }
0xa0: {  	[sflag:s22] =	ssyncadd.s32 s4;
	_ =	sdelay $0x1  }
0xa1: {  	s23 =	simm.s32 $0x1B8B  }
0xa2: {  	_ =	swait.ge [sflag:s23], $0x1  }
0xa3: {  	[sflag:s23] =	ssyncset.done $0x0  }
0xa4: {  	s25 =	simm.s32 $0x1B8E;
	s24 =	sld [smem:$0x3FFE];
	[sflag:s23] =	ssyncadd.s32 $0xFFFFFFFF  }
0xa5: {  	s26 =	simm.s32 $execute0_lowered;
	[smem:$0x3FD2] =	sst s25  }
0xa6: {  	s5 =	sshll.u32 s26, $0x1;
	_ =	strace $0x80000046;
	[dreg:$0x1] =	wrdreg $0xFFFFFFFF  }
0xa7: {  	s28 =	simm.s32 $_size_execute0_lowered;
	s3 =	sadd.s32 s3, s5;
	[dreg:$0x0] =	wrdreg $0x0  }
0xa8: {  	s5 =	sshll.u32 s28, $0x1;
	[dreg:$0x2] =	wrdreg s3  }
0xa9: {  	[dreg:$0x3] =	wrdreg s5  }
0xaa: {  	[dreg:$0x4] =	wrdreg $0xC0  }
0xab: {  	_ =	task [dreg:s7], $0x5FFFF  }
0xac: {  	[dreg:$0x1] =	wrdreg $0xFFFFFFFF  }
0xad: {  	[dreg:$0x0] =	wrdreg $0x60  }
0xae: {  	[dreg:$0x2] =	wrdreg s2  }
0xaf: {  	[dreg:$0x3] =	wrdreg s24  }
0xb0: {  	[dreg:$0x4] =	wrdreg $0x9  }
0xb1: {  	_ =	task.clear_ibuf [dreg:s7], $0x5FFFF;
	_ =	strace $0x90000046  }
0xb2: {  	s29 =	simm.s32 $0x9;
	_ =	strace $0x80000048  }
0xb3: {  	_ =	swait.ge [sflag:s29], $0x1  }
0xb4: {  	[sflag:s29] =	ssyncadd.s32 $0xFFFFFFFF  }
0xb5: {  	_ =	strace $0x90000048  }
0xb6: {  	_ =	sfence  }
0xb7: {  	s30 =	sld [smem:$0x0];
	_ =	sdelay $0x2  }
0xb8: {  	s31 =	sshll.u32 s1, $0xD;
	s1 =	sshrl.u32 s1, $0x2  }
0xb9: {  	s3 =	sand.u32 $0x4000, s31;
	s1 =	sadd.s32 s1, s30  }
0xba: {  	s0 =	sor.u32 s3, s0;
	s1 =	sshll.u32 s1, $0x11  }
0xbb: {  	s0 =	sor.u32 s1, s0  }
0xbc: {  	s0 =	sadd.s32 $0x8F2B, s0  }
0xbd: {  	[sflag:s0] =	ssyncadd.remote.s32 $0x1  }
0xbe: {  	_ =	sfence.sel $0xFFFF  }
0xbf: {  	[dreg:$0x0] =	wrdreg $0xFFFFFFFF;
	(pc) =	sbr.abs _section_cstart, $3  }
0xc0: {  	[dreg:$0x1] =	wrdreg $0xFFFFFFFF  }
0xc1: {  	_ =	task.clear_ibuf [dreg:s7], $0x2FFFF;
	_ =	strace $0x9FFFFFFF  }
0xc2: {  	(tm) =	ssettm $0x7FFFFFFF  }
0xc3: {  	_ =	shalt  }
tec
execute0_lowered:
.L_overlay_start_1:
0x0: {  	(tag) =	ssettag $0x1  }
0x1: {  	s1 =	srdreg.scid;
	s8 =	rddreg [dreg:$0x0]  }
0x2: {  	s0 =	stileid.u32;
	s6 =	rddreg [dreg:$0x1]  }
0x3: {  	s2 =	simm.s32 $0x0;
	s12 =	simm.s32 $0x4000;
	s13 =	simm.s32 $0x4080  }
0x4: {  	s14 =	simm.s32 $0x800;
	s15 =	simm.s32 $0x1000;
	s16 =	simm.s32 $0x1800  }
0x5: {  	s17 =	simm.s32 $0x2000;
	s18 =	simm.s32 $0x2800;
	s19 =	simm.s32 $0x3000  }
0x6: {  	s20 =	simm.s32 $0x3800;
	s21 =	simm.s32 $0x1;
	s22 =	simm.s32 $0x0  }
0x7: {  	s9 =	sand.u32 $0x1, s1;
	s3 =	sshll.u32 s0, $0x7;
	s1 =	rddreg [dreg:$0x2]  }
0x8: {  	[smem:$0x7FF] =	sst s2;
	s11 =	sshll.u32 s0, $0xE;
	s4 =	sshll.u32 s9, $0x6  }
0x9: {  	s31 =	ssub.s32 $0x2, s9;
	_ =	strace $0x80000047;
	s8 =	sadd.s32 s11, s8  }
0xa: {  	s9 =	sshll.u32 s9, $0xD;
	s11 =	simm.s32 $0x2;
	s3 =	sor.u32 s4, s3  }
0xb: {  	s5 =	sshrl.u32 s31, $0x1;
	s4 =	sadd.s32 $0x50900, s6;
	s8 =	sadd.s32 s9, s8  }
0xc: {  	v2 =	vlaneseq.u32;
	s3 =	sshrl.u32 s3, $0x3;
	s7 =	ssub.s32 s31, s5;
	s5 =	sadd.s32 $0x50A00, s6  }
0xd: {  	vm0 =	vmmov $0xffff;
	v1 =	vshrl.u32 v2, $0x3;
	s10 =	sadd.s32 s3, s6;
	s3 =	sadd.s32 $0x50800, s6;
	s6 =	sadd.s32 $0x50B00, s6  }
0xe: {  	v0 =	vand.u32 $0x7, v2;
	v2 =	vor.u32 $0x8, v2;
	v1 =	vmul.u32 $0x8, v1;
	s7 =	smax.u32 s7, $0x1;
	s9 =	sadd.s32 $0x50400, s10;
	s10 =	sadd.s32 $0x50600, s10  }
.LBB2_1:
0xf: {  	s23 =	smov.u32 s8;
	s24 =	simm.s32 $0x0  }
.LBB2_2:
0x10: {  	[tilespmem:s2], [sflag:$0x2] =	stream.linear.gather [hbm4b:s23+s2], $0x4000, $0x38;
	[tilespmem:$0x4100] =	vst v63  }
0x11: {  	_ =	swait.ge [sflag:s11], $0x4000  }
0x12: {  	[sflag:s11] =	ssyncset.done $0x0  }
0x13: {  	s25 =	sadd.s32 s24, s10;
	[sflag:s11] =	ssyncadd.s32 $0xFFFFC000  }
0x14: {  	[tilespmem:s12], [sflag:$0x2] =	stream.linear.gather [hbm4b:s25+s2], $0x10, $0x38;
	[tilespmem:$0x4100] =	vst v63  }
0x15: {  	_ =	swait.ge [sflag:s11], $0x10  }
0x16: {  	[sflag:s11] =	ssyncset.done $0x0  }
0x17: {  	s31 =	sadd.s32 s24, s9;
	[sflag:s11] =	ssyncadd.s32 $0xFFFFFFF0  }
0x18: {  	[tilespmem:s13], [sflag:$0x2] =	stream.linear.gather [hbm4b:s31+s2], $0x10, $0x38;
	[tilespmem:$0x4100] =	vst v63  }
0x19: {  	_ =	swait.ge [sflag:s11], $0x10  }
0x1a: {  	[sflag:s11] =	ssyncset.done $0x0  }
0x1b: {  	[sflag:s11] =	ssyncadd.s32 $0xFFFFFFF0  }
0x1c: {  	v3 =	vld [tilespmem:$0x4000];
	_ =	sdelay $0x4  }
0x1d: {  	v4 =	vshll.u32 v3, $0x3  }
0x1e: {  	v3 =	vand.u32 $0x7, v3;
	v4 =	vand.u32 $0xFFFFFFC0, v4  }
0x1f: {  	v3 =	vor.u32 v3, v4  }
0x20: {  	v4 =	vperm.xlane v3, v0;
	_ =	sdelay $0x1  }
0x21: {  	v4 =	vadd.s32 v1, v4;
	_ =	sdelay $0x4  }
0x22: {  	[hbm4b:s3+s2] =	stream.indirect_vreg.scatter [tilespmem:s2], [sflag:$0x1], $0x80, v4, vm0, $0xb8;
	[tilespmem:$0x4100] =	vst v63  }
0x23: {  	v3 =	vperm.xlane v3, v2  }
0x24: {  	[hbm4b:s4+s2] =	stream.indirect_vreg.scatter [tilespmem:s14], [sflag:$0x1], $0x80, v4, vm0, $0xb8;
	[tilespmem:$0x4100] =	vst v63  }
0x25: {  	v3 =	vadd.s32 v1, v3  }
0x26: {  	[hbm4b:s5+s2] =	stream.indirect_vreg.scatter [tilespmem:s15], [sflag:$0x1], $0x80, v4, vm0, $0xb8;
	[tilespmem:$0x4100] =	vst v63  }
0x27: {  	_ = 	snop  }
0x28: {  	[hbm4b:s6+s2] =	stream.indirect_vreg.scatter [tilespmem:s16], [sflag:$0x1], $0x80, v4, vm0, $0xb8;
	[tilespmem:$0x4100] =	vst v63  }
0x29: {  	_ = 	snop  }
0x2a: {  	[hbm4b:s3+s2] =	stream.indirect_vreg.scatter [tilespmem:s17], [sflag:$0x1], $0x80, v3, vm0, $0xb8;
	[tilespmem:$0x4100] =	vst v63  }
0x2b: {  	_ = 	snop  }
0x2c: {  	[hbm4b:s4+s2] =	stream.indirect_vreg.scatter [tilespmem:s18], [sflag:$0x1], $0x80, v3, vm0, $0xb8;
	[tilespmem:$0x4100] =	vst v63  }
0x2d: {  	_ = 	snop  }
0x2e: {  	[hbm4b:s5+s2] =	stream.indirect_vreg.scatter [tilespmem:s19], [sflag:$0x1], $0x80, v3, vm0, $0xb8;
	[tilespmem:$0x4100] =	vst v63  }
0x2f: {  	_ = 	snop  }
0x30: {  	[hbm4b:s6+s2] =	stream.indirect_vreg.scatter [tilespmem:s20], [sflag:$0x1], $0x80, v3, vm0, $0xb8;
	[tilespmem:$0x4100] =	vst v63  }
0x31: {  	_ =	swait.ge [sflag:s21], $0x4000  }
0x32: {  	[sflag:s21] =	ssyncset.done $0x0  }
0x33: {  	[sflag:s21] =	ssyncadd.s32 $0xFFFFC000  }
0x34: {  	v3 =	vld [tilespmem:$0x4080];
	_ =	sdelay $0x4  }
0x35: {  	v63 =	vshll.u32 v3, $0x3  }
0x36: {  	v3 =	vand.u32 $0x7, v3;
	v4 =	vand.u32 $0xFFFFFFC0, v63  }
0x37: {  	v3 =	vor.u32 v3, v4  }
0x38: {  	v4 =	vperm.xlane v3, v0;
	_ =	sdelay $0x1  }
0x39: {  	v4 =	vadd.s32 v1, v4;
	_ =	sdelay $0x4  }
0x3a: {  	[hbm4b:s3+s2] =	stream.indirect_vreg.scatter [tilespmem:s2], [sflag:$0x1], $0x80, v4, vm0, $0xb8;
	[tilespmem:$0x4100] =	vst v63  }
0x3b: {  	v3 =	vperm.xlane v3, v2  }
0x3c: {  	[hbm4b:s4+s2] =	stream.indirect_vreg.scatter [tilespmem:s14], [sflag:$0x1], $0x80, v4, vm0, $0xb8;
	[tilespmem:$0x4100] =	vst v63  }
0x3d: {  	v3 =	vadd.s32 v1, v3  }
0x3e: {  	[hbm4b:s5+s2] =	stream.indirect_vreg.scatter [tilespmem:s15], [sflag:$0x1], $0x80, v4, vm0, $0xb8;
	[tilespmem:$0x4100] =	vst v63  }
0x3f: {  	_ = 	snop  }
0x40: {  	[hbm4b:s6+s2] =	stream.indirect_vreg.scatter [tilespmem:s16], [sflag:$0x1], $0x80, v4, vm0, $0xb8;
	[tilespmem:$0x4100] =	vst v63  }
0x41: {  	_ = 	snop  }
0x42: {  	[hbm4b:s3+s2] =	stream.indirect_vreg.scatter [tilespmem:s17], [sflag:$0x1], $0x80, v3, vm0, $0xb8;
	[tilespmem:$0x4100] =	vst v63  }
0x43: {  	_ = 	snop  }
0x44: {  	[hbm4b:s4+s2] =	stream.indirect_vreg.scatter [tilespmem:s18], [sflag:$0x1], $0x80, v3, vm0, $0xb8;
	[tilespmem:$0x4100] =	vst v63  }
0x45: {  	p0 =	sne.s32 s24, $0x6  }
0x46: {  	[hbm4b:s5+s2] =	stream.indirect_vreg.scatter [tilespmem:s19], [sflag:$0x1], $0x80, v3, vm0, $0xb8;
	[tilespmem:$0x4100] =	vst v63  }
.Ltmp0:
0x47: {  	_ = 	snop;
	(pc) =	sbr.rel @p0 .LBB2_2-.Ltmp0, $4  }
0x48: {  	[hbm4b:s6+s2] =	stream.indirect_vreg.scatter [tilespmem:s20], [sflag:$0x1], $0x80, v3, vm0, $0xb8;
	[tilespmem:$0x4100] =	vst v63  }
0x49: {  	_ =	swait.ge [sflag:s21], $0x4000  }
0x4a: {  	[sflag:s21] =	ssyncset.done $0x0  }
0x4b: {  	s23 =	sadd.s32 $0x800, s23;
	s24 =	sadd.s32 $0x2, s24;
	[sflag:s21] =	ssyncadd.s32 $0xFFFFC000  }
0x4c: {  	s22 =	sadd.s32 $0x1, s22  }
0x4d: {  	p0 =	sne.s32 s22, s7  }
.Ltmp1:
0x4e: {  	_ = 	snop;
	(pc) =	sbr.rel @p0 .LBB2_1-.Ltmp1, $1  }
0x4f: {  	_ =	sdelay $0x3  }
0x50: {  	_ =	sfence.sel $0x180000  }
0x51: {  	[bflag:$0x0] =	sbarrier.arrive $0xFFFF  }
0x52: {  	p0 =	sne.s32 s0, $0x0;
	_ =	strace $0x90000047  }
0x53: {  	s0 =	sadd.s32 @!p0 $0x100000, s1;
	[bflag:$0x2] =	sbarrier.arrive $0xFFFF  }
0x54: {  	[sflag:s0] =	ssyncadd.tile.s32 @!p0 $0x1;
	_ =	shalt  }
.Lfunc_end2:
_tile_overlayer_lowered:
.L_overlay_start_2:
0x55: {  	(tag) =	ssettag $0x2  }
0x56: {  	s0 =	rddreg [dreg:$0x0];
	s2 =	stileid.u32  }
0x57: {  	s1 =	rddreg [dreg:$0x1];
	p0 =	sne.s32 s2, $0x0  }
0x58: {  	s3 =	rddreg [dreg:$0x2];
	[bflag:$0x3] =	sbarrier.arrive $0xFFFF;
	s2 =	simm.s32 @!p0 $0x1C02  }
0x59: {  	[timem:s3], [sflag:s2] =	dma.local @!p0 [hbm:s0], s1  }
0x5a: {  	s0 =	simm.s32 @!p0 $0x2  }
0x5b: {  	_ =	swait.ge @!p0 [sflag:s0], s1  }
0x5c: {  	s1 =	ssub.s32 @!p0 $0x0, s1;
	[sflag:s0] =	ssyncset.done @!p0 $0x0  }
0x5d: {  	[sflag:s0] =	ssyncadd.s32 @!p0 s1  }
0x5e: {  	[bflag:$0x3] =	sbarrier.arrive $0xFFFF  }
0x5f: {  	_ =	shalt  }

</sc_bundles>
